<compile_context>
chip_gen: v7x
topology: tpu7x:2x2x1
jax: 0.10.2.dev20260603
libtpu: 0.0.44.dev20260713+nightly
codegen_flags: <defaults>
</compile_context>

<pallas_src>
import jax
import jax.numpy as jnp
from jax import lax
from jax.experimental import pallas as pl
from jax.experimental.pallas import tpu as pltpu
from jax.experimental.pallas import tpu_sc as plsc

N = 10000
E = 320000
IN_CH = 128
OUT_CH = 128
HEADS = 8
HEAD_C = 16
TW = 144
NC = 2
NS = 16
NW = NC * NS
K = 120
NCHUNK = 84
EPW = K * NCHUNK
EP = EPW * NW
ACC_ROWS = 10016
RPT = ACC_ROWS // NS
ROW_BLK = 400


def _stage1_body(x_ref, waug_ref, wr_ref, table_ref, sright_ref):
    x = x_ref[...]
    tb = jnp.dot(x, waug_ref[...], preferred_element_type=jnp.float32)
    col = lax.broadcasted_iota(jnp.int32, tb.shape, 1)
    table_ref[...] = jnp.where(col >= OUT_CH + HEADS, -1e30, tb)
    sr = jnp.dot(x, wr_ref[...], preferred_element_type=jnp.float32)
    colr = lax.broadcasted_iota(jnp.int32, sr.shape, 1)
    sright_ref[...] = jnp.where(colr >= HEADS, -1e30, sr)


def _stage2_body(p0_ref, p1_ref, bmat_ref, bias_ref, out_ref):
    p0 = p0_ref[0]
    p1 = p1_ref[0]
    num = p0[:, :OUT_CH] + p1[:, :OUT_CH]
    den = p0[:, OUT_CH:OUT_CH + HEADS] + p1[:, OUT_CH:OUT_CH + HEADS]
    denb = jnp.dot(den, bmat_ref[...], preferred_element_type=jnp.float32)
    out_ref[...] = num / (denb + 1e-16) + bias_ref[...]


def _sc_body(table_h, sright_h, idx_h, part_h,
             idxb, srows, srrows, acc, semi0, semi1, semg0, semg1):
    semi = (semi0, semi1)
    semg = (semg0, semg1)
    c = lax.axis_index("c")
    s = lax.axis_index("s")
    wid = s * NC + c

    stage = srows.at[0]

    zero16 = jnp.zeros((16,), jnp.float32)

    def zrow(i, carry):
        for cb in range(TW // 16):
            srows[0, i, pl.ds(cb * 16, 16)] = zero16
        return carry

    lax.fori_loop(0, K, zrow, 0)
    tail = RPT - (RPT // K) * K
    for z in range(RPT // K):
        pltpu.sync_copy(stage, acc.at[pl.ds(s * RPT + z * K, K)])
    if tail:
        pltpu.sync_copy(stage.at[pl.ds(0, tail)],
                        acc.at[pl.ds(s * RPT + (RPT // K) * K, tail)])
    plsc.subcore_barrier()

    gdn = lax.GatherDimensionNumbers(
        offset_dims=(), collapsed_slice_dims=(0,), start_index_map=(0,))
    cb_idx = [jnp.full((16, 1), cb, jnp.int32) for cb in range(HEADS)]

    def idx_copy(j, sl):
        return pltpu.make_async_copy(
            idx_h.at[wid * NCHUNK + j], idxb.at[sl], semi[sl])

    def gath_copies(sl):
        return (
            pltpu.make_async_copy(table_h.at[idxb.at[sl, 0]], srows.at[sl], semg[sl]),
            pltpu.make_async_copy(sright_h.at[idxb.at[sl, 1]], srrows.at[sl], semg[sl]),
        )

    d = idx_copy(0, 0)
    d.start()
    d.wait()
    for g in gath_copies(0):
        g.start()
    idx_copy(1, 1).start()

    def pair(t, carry):
        for sl in (0, 1):
            j = 2 * t + sl
            nsl = 1 - sl

            @pl.when(j + 1 < NCHUNK)
            def _():
                idx_copy(j + 1, nsl).wait()
                for g in gath_copies(nsl):
                    g.start()

            for g in gath_copies(sl):
                g.wait()

            @plsc.parallel_loop(0, K, 1, unroll=4)
            def edge(e):
                sl_scores = srows[sl, e, pl.ds(OUT_CH, 16)]
                sr_scores = srrows[sl, e, pl.ds(0, 16)]
                sv = sl_scores + sr_scores
                esc = jnp.exp(jnp.maximum(sv, 0.2 * sv))
                srows[sl, e, pl.ds(OUT_CH, 16)] = esc
                for cb in range(HEADS):
                    m = lax.gather(esc, cb_idx[cb], gdn, (1,),
                                   mode=lax.GatherScatterMode.PROMISE_IN_BOUNDS)
                    srows[sl, e, pl.ds(cb * 16, 16)] = (
                        srows[sl, e, pl.ds(cb * 16, 16)] * m)

            pltpu.sync_copy(srows.at[sl], acc.at[idxb.at[sl, 1]], add=True)

            @pl.when(j + 2 < NCHUNK)
            def _():
                idx_copy(j + 2, sl).start()
        return carry

    lax.fori_loop(0, NCHUNK // 2, pair, 0)
    plsc.subcore_barrier()

    pltpu.sync_copy(acc.at[pl.ds(s * RPT, RPT)],
                    part_h.at[c, pl.ds(s * RPT, RPT)])


def kernel(node_features, edge_index, W, a_left, a_right, bias):
    al = a_left[..., 0]
    ar = a_right[..., 0]
    rows = jnp.arange(OUT_CH)
    cols = rows // HEAD_C
    a_left_flat = jnp.zeros((OUT_CH, HEADS), jnp.float32).at[rows, cols].set(
        al.T.reshape(-1))
    a_right_flat = jnp.zeros((OUT_CH, HEADS), jnp.float32).at[rows, cols].set(
        ar.T.reshape(-1))
    w_aug = jnp.concatenate(
        [W, W @ a_left_flat, jnp.zeros((IN_CH, TW - OUT_CH - HEADS), jnp.float32)],
        axis=1)
    w_r = jnp.concatenate(
        [W @ a_right_flat, jnp.zeros((IN_CH, 8), jnp.float32)], axis=1)
    bmat = jnp.zeros((HEADS, OUT_CH), jnp.float32).at[cols, rows].set(1.0)

    pad = EP - E
    srcp = jnp.concatenate([edge_index[0], jnp.zeros((pad,), jnp.int32)])
    trgp = jnp.concatenate([edge_index[1], jnp.full((pad,), N, jnp.int32)])
    idx_all = jnp.stack(
        [srcp.reshape(NW * NCHUNK, K), trgp.reshape(NW * NCHUNK, K)], axis=1)

    table, sright = pl.pallas_call(
        _stage1_body,
        grid=(N // ROW_BLK,),
        in_specs=[
            pl.BlockSpec((ROW_BLK, IN_CH), lambda i: (i, 0)),
            pl.BlockSpec((IN_CH, TW), lambda i: (0, 0)),
            pl.BlockSpec((IN_CH, 16), lambda i: (0, 0)),
        ],
        out_specs=[
            pl.BlockSpec((ROW_BLK, TW), lambda i: (i, 0)),
            pl.BlockSpec((ROW_BLK, 16), lambda i: (i, 0)),
        ],
        out_shape=[
            jax.ShapeDtypeStruct((N, TW), jnp.float32),
            jax.ShapeDtypeStruct((N, 16), jnp.float32),
        ],
    )(node_features, w_aug, w_r)

    mesh = plsc.VectorSubcoreMesh(
        core_axis_name="c", subcore_axis_name="s", num_cores=NC, num_subcores=NS)
    part = pl.kernel(
        _sc_body,
        out_type=jax.ShapeDtypeStruct((NC, ACC_ROWS, TW), jnp.float32),
        mesh=mesh,
        scratch_types=[
            pltpu.VMEM((2, 2, K), jnp.int32),
            pltpu.VMEM((2, K, TW), jnp.float32),
            pltpu.VMEM((2, K, 16), jnp.float32),
            pltpu.VMEM_SHARED((ACC_ROWS, TW), jnp.float32),
            pltpu.SemaphoreType.DMA,
            pltpu.SemaphoreType.DMA,
            pltpu.SemaphoreType.DMA,
            pltpu.SemaphoreType.DMA,
        ],
        compiler_params=pltpu.CompilerParams(
            use_tc_tiling_on_sc=False, needs_layout_passes=False),
    )(table, sright, idx_all)

    out = pl.pallas_call(
        _stage2_body,
        grid=(N // ROW_BLK,),
        in_specs=[
            pl.BlockSpec((1, ROW_BLK, TW), lambda i: (0, i, 0)),
            pl.BlockSpec((1, ROW_BLK, TW), lambda i: (1, i, 0)),
            pl.BlockSpec((HEADS, OUT_CH), lambda i: (0, 0)),
            pl.BlockSpec((1, OUT_CH), lambda i: (0, 0)),
        ],
        out_specs=pl.BlockSpec((ROW_BLK, OUT_CH), lambda i: (i, 0)),
        out_shape=jax.ShapeDtypeStruct((N, OUT_CH), jnp.float32),
    )(part, part, bmat, bias.reshape(1, OUT_CH))
    return out

# --- scband reference (transcript-rebuilt; emitter-appended) ---
"""Pipeline reference for scband-efficient-gatlayer-59081570124185 (READ-ONLY COPY).

The authoritative reference and input builder live on the scoring server;
editing this copy changes nothing except your own understanding.
"""

import jax, jax.numpy as jnp
import numpy as np

N = 10000
E = 320000
IN_CH = 128
OUT_CH = 128
HEADS = 8
HEAD_C = OUT_CH // HEADS


def setup_inputs(seed: int = 0) -> dict:
    key = jax.random.key(seed)
    k1, k2, k3, k4, k5 = jax.random.split(key, 5)
    node_features = jax.random.normal(k1, (N, IN_CH), dtype=jnp.float32)
    edge_index = jax.random.randint(k2, (2, E), 0, N, dtype=jnp.int32)
    # Learned parameters (xavier-uniform-like scales)
    limit_w = np.sqrt(6.0 / (IN_CH + OUT_CH))
    W = jax.random.uniform(k3, (IN_CH, OUT_CH), minval=-limit_w, maxval=limit_w, dtype=jnp.float32)
    limit_a = np.sqrt(6.0 / (HEAD_C + HEADS))
    a_left = jax.random.uniform(k4, (HEAD_C, HEADS, 1), minval=-limit_a, maxval=limit_a, dtype=jnp.float32)
    a_right = jax.random.uniform(k5, (HEAD_C, HEADS, 1), minval=-limit_a, maxval=limit_a, dtype=jnp.float32)
    bias = jnp.zeros((OUT_CH,), dtype=jnp.float32)
    return {"node_features": node_features, "edge_index": edge_index, "W": W, "a_left": a_left, "a_right": a_right, "bias": bias}


def reference(node_features, edge_index, W, a_left, a_right, bias):
    # dropout p=0.0 -> identity
    emb = node_features @ W                       # (N, OUT_CH)
    emb = emb.reshape(N, HEADS, HEAD_C)           # (N, H, C)
    src_scores = jnp.einsum('nhc,chi->nh', emb, a_left)   # (N, H)
    tgt_scores = jnp.einsum('nhc,chi->nh', emb, a_right)  # (N, H)
    src = edge_index[0]
    trg = edge_index[1]
    # lift: N -> E via gather
    src_lift = jnp.take(src_scores, src, axis=0)  # (E, H)
    tgt_lift = jnp.take(tgt_scores, trg, axis=0)  # (E, H)
    edge_scores = jax.nn.leaky_relu(src_lift + tgt_lift, negative_slope=0.2)
    exp_scores = jnp.exp(edge_scores)             # (E, H)
    # neighbourhood softmax via scatter-add (segment_sum) then gather
    neigh_sums = jax.ops.segment_sum(exp_scores, trg, num_segments=N)  # (N, H)
    attn = exp_scores / (jnp.take(neigh_sums, trg, axis=0) + 1e-16)    # (E, H)
    emb_lift = jnp.take(emb, src, axis=0)         # (E, H, C)
    weighted = emb_lift * attn[:, :, None]        # (E, H, C)
    out = jax.ops.segment_sum(weighted, trg, num_segments=N)  # (N, H, C)
    out = out.reshape(N, HEADS * HEAD_C)          # concat heads
    out = out + bias
    return out

if __name__ == "__main__":
    import jax
    _d = setup_inputs()
    print(jax.jit(kernel)(*tuple(_d.values())))

</pallas_src>

<mosaic_0001>
#map = affine_map<(d0, d1) -> (0, 0)>
#map1 = affine_map<(d0, d1) -> (0, 0, 0)>
module attributes {stable_mosaic.version = 14 : i64} {
  func.func @_sc_body(%arg0: i32, %arg1: i32, %arg2: memref<10000x144xf32, #tpu.memory_space<hbm>>, %arg3: memref<10000x16xf32, #tpu.memory_space<hbm>>, %arg4: memref<2688x2x120xi32, #tpu.memory_space<hbm>>, %arg5: memref<2x10016x144xf32, #tpu.memory_space<hbm>>, %arg6: memref<2x2x120xi32, #tpu.memory_space<vmem>>, %arg7: memref<2x120x144xf32, #tpu.memory_space<vmem>>, %arg8: memref<2x120x16xf32, #tpu.memory_space<vmem>>, %arg9: memref<10016x144xf32, #tpu.memory_space<vmem_shared>>, %arg10: memref<!tpu.dma_semaphore, #tpu.memory_space<semaphore_mem>>, %arg11: memref<!tpu.dma_semaphore, #tpu.memory_space<semaphore_mem>>, %arg12: memref<!tpu.dma_semaphore, #tpu.memory_space<semaphore_mem>>, %arg13: memref<!tpu.dma_semaphore, #tpu.memory_space<semaphore_mem>>) attributes {dimension_semantics = [#tpu.dimension_semantics<core_parallel>, #tpu.dimension_semantics<subcore_parallel>], iteration_bounds = array<i64: 2, 16>, scalar_prefetch = 0 : i64, scratch_operands = 8 : i64, tpu.core_type = #tpu.core_type<sc_vector_subcore>, window_params = [{transform_indices = #map}, {transform_indices = #map}, {transform_indices = #map1}, {transform_indices = #map1}]} {
    %mul3A = arith.constant 2 : i32
    %mul3A_0 = arith.muli %arg1, %mul3A : i32
    %add3A = arith.addi %mul3A_0, %arg0 : i32
    %broadcast_in_dim3A = arith.constant 0.000000e+00 : f32
    %broadcast_in_dim3A_1 = vector.broadcast %broadcast_in_dim3A : f32 to vector<16xf32>
    %scan3A = arith.constant 0 : i32
    %scan3A_2 = arith.constant 0 : i32
    %scan3A_3 = arith.constant 120 : i32
    %scan3A_4 = arith.addi %scan3A_2, %scan3A_3 : i32
    %scan3A_5 = arith.constant 1 : i32
    scf.for %scan3A_146 = %scan3A_2 to %scan3A_4 step %scan3A_5  : i32 {
      %swap3A = arith.constant 0 : i32
      %swap3A_147 = arith.index_cast %swap3A : i32 to index
      %swap3A_148 = arith.index_cast %scan3A_146 : i32 to index
      %swap3A_149 = arith.constant 0 : index
      %swap3A_150 = tpu.vector_load %arg7[%swap3A_147, %swap3A_148, %swap3A_149] {strides = array<i32>} : memref<2x120x144xf32, #tpu.memory_space<vmem>>, vector<16xf32>,
      tpu.vector_store %arg7[%swap3A_147, %swap3A_148, %swap3A_149], %broadcast_in_dim3A_1 {strides = array<i32>} : memref<2x120x144xf32, #tpu.memory_space<vmem>>, vector<16xf32>,
      %swap3A_151 = arith.constant 0 : i32
      %swap3A_152 = arith.index_cast %swap3A_151 : i32 to index
      %swap3A_153 = arith.index_cast %scan3A_146 : i32 to index
      %swap3A_154 = arith.constant 16 : index
      %swap3A_155 = tpu.vector_load %arg7[%swap3A_152, %swap3A_153, %swap3A_154] {strides = array<i32>} : memref<2x120x144xf32, #tpu.memory_space<vmem>>, vector<16xf32>,
      tpu.vector_store %arg7[%swap3A_152, %swap3A_153, %swap3A_154], %broadcast_in_dim3A_1 {strides = array<i32>} : memref<2x120x144xf32, #tpu.memory_space<vmem>>, vector<16xf32>,
      %swap3A_156 = arith.constant 0 : i32
      %swap3A_157 = arith.index_cast %swap3A_156 : i32 to index
      %swap3A_158 = arith.index_cast %scan3A_146 : i32 to index
      %swap3A_159 = arith.constant 32 : index
      %swap3A_160 = tpu.vector_load %arg7[%swap3A_157, %swap3A_158, %swap3A_159] {strides = array<i32>} : memref<2x120x144xf32, #tpu.memory_space<vmem>>, vector<16xf32>,
      tpu.vector_store %arg7[%swap3A_157, %swap3A_158, %swap3A_159], %broadcast_in_dim3A_1 {strides = array<i32>} : memref<2x120x144xf32, #tpu.memory_space<vmem>>, vector<16xf32>,
      %swap3A_161 = arith.constant 0 : i32
      %swap3A_162 = arith.index_cast %swap3A_161 : i32 to index
      %swap3A_163 = arith.index_cast %scan3A_146 : i32 to index
      %swap3A_164 = arith.constant 48 : index
      %swap3A_165 = tpu.vector_load %arg7[%swap3A_162, %swap3A_163, %swap3A_164] {strides = array<i32>} : memref<2x120x144xf32, #tpu.memory_space<vmem>>, vector<16xf32>,
      tpu.vector_store %arg7[%swap3A_162, %swap3A_163, %swap3A_164], %broadcast_in_dim3A_1 {strides = array<i32>} : memref<2x120x144xf32, #tpu.memory_space<vmem>>, vector<16xf32>,
      %swap3A_166 = arith.constant 0 : i32
      %swap3A_167 = arith.index_cast %swap3A_166 : i32 to index
      %swap3A_168 = arith.index_cast %scan3A_146 : i32 to index
      %swap3A_169 = arith.constant 64 : index
      %swap3A_170 = tpu.vector_load %arg7[%swap3A_167, %swap3A_168, %swap3A_169] {strides = array<i32>} : memref<2x120x144xf32, #tpu.memory_space<vmem>>, vector<16xf32>,
      tpu.vector_store %arg7[%swap3A_167, %swap3A_168, %swap3A_169], %broadcast_in_dim3A_1 {strides = array<i32>} : memref<2x120x144xf32, #tpu.memory_space<vmem>>, vector<16xf32>,
      %swap3A_171 = arith.constant 0 : i32
      %swap3A_172 = arith.index_cast %swap3A_171 : i32 to index
      %swap3A_173 = arith.index_cast %scan3A_146 : i32 to index
      %swap3A_174 = arith.constant 80 : index
      %swap3A_175 = tpu.vector_load %arg7[%swap3A_172, %swap3A_173, %swap3A_174] {strides = array<i32>} : memref<2x120x144xf32, #tpu.memory_space<vmem>>, vector<16xf32>,
      tpu.vector_store %arg7[%swap3A_172, %swap3A_173, %swap3A_174], %broadcast_in_dim3A_1 {strides = array<i32>} : memref<2x120x144xf32, #tpu.memory_space<vmem>>, vector<16xf32>,
      %swap3A_176 = arith.constant 0 : i32
      %swap3A_177 = arith.index_cast %swap3A_176 : i32 to index
      %swap3A_178 = arith.index_cast %scan3A_146 : i32 to index
      %swap3A_179 = arith.constant 96 : index
      %swap3A_180 = tpu.vector_load %arg7[%swap3A_177, %swap3A_178, %swap3A_179] {strides = array<i32>} : memref<2x120x144xf32, #tpu.memory_space<vmem>>, vector<16xf32>,
      tpu.vector_store %arg7[%swap3A_177, %swap3A_178, %swap3A_179], %broadcast_in_dim3A_1 {strides = array<i32>} : memref<2x120x144xf32, #tpu.memory_space<vmem>>, vector<16xf32>,
      %swap3A_181 = arith.constant 0 : i32
      %swap3A_182 = arith.index_cast %swap3A_181 : i32 to index
      %swap3A_183 = arith.index_cast %scan3A_146 : i32 to index
      %swap3A_184 = arith.constant 112 : index
      %swap3A_185 = tpu.vector_load %arg7[%swap3A_182, %swap3A_183, %swap3A_184] {strides = array<i32>} : memref<2x120x144xf32, #tpu.memory_space<vmem>>, vector<16xf32>,
      tpu.vector_store %arg7[%swap3A_182, %swap3A_183, %swap3A_184], %broadcast_in_dim3A_1 {strides = array<i32>} : memref<2x120x144xf32, #tpu.memory_space<vmem>>, vector<16xf32>,
      %swap3A_186 = arith.constant 0 : i32
      %swap3A_187 = arith.index_cast %swap3A_186 : i32 to index
      %swap3A_188 = arith.index_cast %scan3A_146 : i32 to index
      %swap3A_189 = arith.constant 128 : index
      %swap3A_190 = tpu.vector_load %arg7[%swap3A_187, %swap3A_188, %swap3A_189] {strides = array<i32>} : memref<2x120x144xf32, #tpu.memory_space<vmem>>, vector<16xf32>,
      tpu.vector_store %arg7[%swap3A_187, %swap3A_188, %swap3A_189], %broadcast_in_dim3A_1 {strides = array<i32>} : memref<2x120x144xf32, #tpu.memory_space<vmem>>, vector<16xf32>,
    }
    %scan3A_6 = arith.constant 120 : i32
    %mul3A_7 = arith.constant 626 : i32
    %mul3A_8 = arith.muli %arg1, %mul3A_7 : i32
    %add3A_9 = arith.constant 0 : i32
    %add3A_10 = arith.addi %mul3A_8, %add3A_9 : i32
    %run_scoped3A = arith.constant 0 : i32
    "tpu.region"() ({
      %run_scoped3A_146 = tpu.sem_alloc : memref<!tpu.dma_semaphore, #tpu.memory_space<semaphore_mem>>
      %dma_start3A_147 = arith.constant 0 : i32
      %dma_start3A_148 = arith.constant 0 : i32
      %dma_start3A_149 = tpu.memref_slice %arg7[%run_scoped3A, %dma_start3A_147, %dma_start3A_148] : memref<2x120x144xf32, #tpu.memory_space<vmem>> -> memref<1x120x144xf32, #tpu.memory_space<vmem>>
      %dma_start3A_150 = tpu.memref_squeeze %dma_start3A_149 : memref<1x120x144xf32, #tpu.memory_space<vmem>> -> memref<120x144xf32, #tpu.memory_space<vmem>>
      %dma_start3A_151 = arith.constant 0 : i32
      %dma_start3A_152 = tpu.memref_slice %arg9[%add3A_10, %dma_start3A_151] : memref<10016x144xf32, #tpu.memory_space<vmem_shared>> -> memref<120x144xf32, #tpu.memory_space<vmem_shared>>
      %dma_start3A_153 = arith.constant 0 : i32
      %dma_start3A_154 = tpu.memref_slice %arg9[%add3A_10, %dma_start3A_153] : memref<10016x144xf32, #tpu.memory_space<vmem_shared>> -> memref<120x144xf32, #tpu.memory_space<vmem_shared>>
      %dma_start3A_155 = arith.constant 0 : i32
      %dma_start3A_156 = arith.constant 0 : i32
      %dma_start3A_157 = tpu.memref_slice %arg7[%run_scoped3A, %dma_start3A_155, %dma_start3A_156] : memref<2x120x144xf32, #tpu.memory_space<vmem>> -> memref<1x120x144xf32, #tpu.memory_space<vmem>>
      %dma_start3A_158 = tpu.memref_squeeze %dma_start3A_157 : memref<1x120x144xf32, #tpu.memory_space<vmem>> -> memref<120x144xf32, #tpu.memory_space<vmem>>
      tpu.enqueue_dma source(%dma_start3A_158 : memref<120x144xf32, #tpu.memory_space<vmem>>) target(%dma_start3A_154 : memref<120x144xf32, #tpu.memory_space<vmem_shared>>) target_semaphore(%run_scoped3A_146 : memref<!tpu.dma_semaphore, #tpu.memory_space<semaphore_mem>>)
      %dma_wait3A_159 = arith.constant 0 : i32
      %dma_wait3A_160 = arith.constant 0 : i32
      %dma_wait3A_161 = tpu.memref_slice %arg7[%run_scoped3A, %dma_wait3A_159, %dma_wait3A_160] : memref<2x120x144xf32, #tpu.memory_space<vmem>> -> memref<1x120x144xf32, #tpu.memory_space<vmem>>
      %dma_wait3A_162 = tpu.memref_squeeze %dma_wait3A_161 : memref<1x120x144xf32, #tpu.memory_space<vmem>> -> memref<120x144xf32, #tpu.memory_space<vmem>>
      %dma_wait3A_163 = arith.constant 0 : i32
      %dma_wait3A_164 = tpu.memref_slice %arg9[%add3A_10, %dma_wait3A_163] : memref<10016x144xf32, #tpu.memory_space<vmem_shared>> -> memref<120x144xf32, #tpu.memory_space<vmem_shared>>
      %dma_wait3A_165 = arith.constant 0 : i32
      %dma_wait3A_166 = tpu.memref_slice %arg9[%add3A_10, %dma_wait3A_165] : memref<10016x144xf32, #tpu.memory_space<vmem_shared>> -> memref<120x144xf32, #tpu.memory_space<vmem_shared>>
      %dma_wait3A_167 = arith.constant 0 : i32
      %dma_wait3A_168 = arith.constant 0 : i32
      %dma_wait3A_169 = tpu.memref_slice %arg7[%run_scoped3A, %dma_wait3A_167, %dma_wait3A_168] : memref<2x120x144xf32, #tpu.memory_space<vmem>> -> memref<1x120x144xf32, #tpu.memory_space<vmem>>
      %dma_wait3A_170 = tpu.memref_squeeze %dma_wait3A_169 : memref<1x120x144xf32, #tpu.memory_space<vmem>> -> memref<120x144xf32, #tpu.memory_space<vmem>>
      tpu.wait_dma2 semaphore(%run_scoped3A_146 : memref<!tpu.dma_semaphore, #tpu.memory_space<semaphore_mem>>) src(%dma_wait3A_170 : memref<120x144xf32, #tpu.memory_space<vmem>>) dst(%dma_wait3A_166 : memref<120x144xf32, #tpu.memory_space<vmem_shared>>)
      tpu.yield
    }) : () -> ()
    %mul3A_11 = arith.constant 626 : i32
    %mul3A_12 = arith.muli %arg1, %mul3A_11 : i32
    %add3A_13 = arith.constant 120 : i32
    %add3A_14 = arith.addi %mul3A_12, %add3A_13 : i32
    %run_scoped3A_15 = arith.constant 0 : i32
    "tpu.region"() ({
      %run_scoped3A_146 = tpu.sem_alloc : memref<!tpu.dma_semaphore, #tpu.memory_space<semaphore_mem>>
      %dma_start3A_147 = arith.constant 0 : i32
      %dma_start3A_148 = arith.constant 0 : i32
      %dma_start3A_149 = tpu.memref_slice %arg7[%run_scoped3A_15, %dma_start3A_147, %dma_start3A_148] : memref<2x120x144xf32, #tpu.memory_space<vmem>> -> memref<1x120x144xf32, #tpu.memory_space<vmem>>
      %dma_start3A_150 = tpu.memref_squeeze %dma_start3A_149 : memref<1x120x144xf32, #tpu.memory_space<vmem>> -> memref<120x144xf32, #tpu.memory_space<vmem>>
      %dma_start3A_151 = arith.constant 0 : i32
      %dma_start3A_152 = tpu.memref_slice %arg9[%add3A_14, %dma_start3A_151] : memref<10016x144xf32, #tpu.memory_space<vmem_shared>> -> memref<120x144xf32, #tpu.memory_space<vmem_shared>>
      %dma_start3A_153 = arith.constant 0 : i32
      %dma_start3A_154 = tpu.memref_slice %arg9[%add3A_14, %dma_start3A_153] : memref<10016x144xf32, #tpu.memory_space<vmem_shared>> -> memref<120x144xf32, #tpu.memory_space<vmem_shared>>
      %dma_start3A_155 = arith.constant 0 : i32
      %dma_start3A_156 = arith.constant 0 : i32
      %dma_start3A_157 = tpu.memref_slice %arg7[%run_scoped3A_15, %dma_start3A_155, %dma_start3A_156] : memref<2x120x144xf32, #tpu.memory_space<vmem>> -> memref<1x120x144xf32, #tpu.memory_space<vmem>>
      %dma_start3A_158 = tpu.memref_squeeze %dma_start3A_157 : memref<1x120x144xf32, #tpu.memory_space<vmem>> -> memref<120x144xf32, #tpu.memory_space<vmem>>
      tpu.enqueue_dma source(%dma_start3A_158 : memref<120x144xf32, #tpu.memory_space<vmem>>) target(%dma_start3A_154 : memref<120x144xf32, #tpu.memory_space<vmem_shared>>) target_semaphore(%run_scoped3A_146 : memref<!tpu.dma_semaphore, #tpu.memory_space<semaphore_mem>>)
      %dma_wait3A_159 = arith.constant 0 : i32
      %dma_wait3A_160 = arith.constant 0 : i32
      %dma_wait3A_161 = tpu.memref_slice %arg7[%run_scoped3A_15, %dma_wait3A_159, %dma_wait3A_160] : memref<2x120x144xf32, #tpu.memory_space<vmem>> -> memref<1x120x144xf32, #tpu.memory_space<vmem>>
      %dma_wait3A_162 = tpu.memref_squeeze %dma_wait3A_161 : memref<1x120x144xf32, #tpu.memory_space<vmem>> -> memref<120x144xf32, #tpu.memory_space<vmem>>
      %dma_wait3A_163 = arith.constant 0 : i32
      %dma_wait3A_164 = tpu.memref_slice %arg9[%add3A_14, %dma_wait3A_163] : memref<10016x144xf32, #tpu.memory_space<vmem_shared>> -> memref<120x144xf32, #tpu.memory_space<vmem_shared>>
      %dma_wait3A_165 = arith.constant 0 : i32
      %dma_wait3A_166 = tpu.memref_slice %arg9[%add3A_14, %dma_wait3A_165] : memref<10016x144xf32, #tpu.memory_space<vmem_shared>> -> memref<120x144xf32, #tpu.memory_space<vmem_shared>>
      %dma_wait3A_167 = arith.constant 0 : i32
      %dma_wait3A_168 = arith.constant 0 : i32
      %dma_wait3A_169 = tpu.memref_slice %arg7[%run_scoped3A_15, %dma_wait3A_167, %dma_wait3A_168] : memref<2x120x144xf32, #tpu.memory_space<vmem>> -> memref<1x120x144xf32, #tpu.memory_space<vmem>>
      %dma_wait3A_170 = tpu.memref_squeeze %dma_wait3A_169 : memref<1x120x144xf32, #tpu.memory_space<vmem>> -> memref<120x144xf32, #tpu.memory_space<vmem>>
      tpu.wait_dma2 semaphore(%run_scoped3A_146 : memref<!tpu.dma_semaphore, #tpu.memory_space<semaphore_mem>>) src(%dma_wait3A_170 : memref<120x144xf32, #tpu.memory_space<vmem>>) dst(%dma_wait3A_166 : memref<120x144xf32, #tpu.memory_space<vmem_shared>>)
      tpu.yield
    }) : () -> ()
    %mul3A_16 = arith.constant 626 : i32
    %mul3A_17 = arith.muli %arg1, %mul3A_16 : i32
    %add3A_18 = arith.constant 240 : i32
    %add3A_19 = arith.addi %mul3A_17, %add3A_18 : i32
    %run_scoped3A_20 = arith.constant 0 : i32
    "tpu.region"() ({
      %run_scoped3A_146 = tpu.sem_alloc : memref<!tpu.dma_semaphore, #tpu.memory_space<semaphore_mem>>
      %dma_start3A_147 = arith.constant 0 : i32
      %dma_start3A_148 = arith.constant 0 : i32
      %dma_start3A_149 = tpu.memref_slice %arg7[%run_scoped3A_20, %dma_start3A_147, %dma_start3A_148] : memref<2x120x144xf32, #tpu.memory_space<vmem>> -> memref<1x120x144xf32, #tpu.memory_space<vmem>>
      %dma_start3A_150 = tpu.memref_squeeze %dma_start3A_149 : memref<1x120x144xf32, #tpu.memory_space<vmem>> -> memref<120x144xf32, #tpu.memory_space<vmem>>
      %dma_start3A_151 = arith.constant 0 : i32
      %dma_start3A_152 = tpu.memref_slice %arg9[%add3A_19, %dma_start3A_151] : memref<10016x144xf32, #tpu.memory_space<vmem_shared>> -> memref<120x144xf32, #tpu.memory_space<vmem_shared>>
      %dma_start3A_153 = arith.constant 0 : i32
      %dma_start3A_154 = tpu.memref_slice %arg9[%add3A_19, %dma_start3A_153] : memref<10016x144xf32, #tpu.memory_space<vmem_shared>> -> memref<120x144xf32, #tpu.memory_space<vmem_shared>>
      %dma_start3A_155 = arith.constant 0 : i32
      %dma_start3A_156 = arith.constant 0 : i32
      %dma_start3A_157 = tpu.memref_slice %arg7[%run_scoped3A_20, %dma_start3A_155, %dma_start3A_156] : memref<2x120x144xf32, #tpu.memory_space<vmem>> -> memref<1x120x144xf32, #tpu.memory_space<vmem>>
      %dma_start3A_158 = tpu.memref_squeeze %dma_start3A_157 : memref<1x120x144xf32, #tpu.memory_space<vmem>> -> memref<120x144xf32, #tpu.memory_space<vmem>>
      tpu.enqueue_dma source(%dma_start3A_158 : memref<120x144xf32, #tpu.memory_space<vmem>>) target(%dma_start3A_154 : memref<120x144xf32, #tpu.memory_space<vmem_shared>>) target_semaphore(%run_scoped3A_146 : memref<!tpu.dma_semaphore, #tpu.memory_space<semaphore_mem>>)
      %dma_wait3A_159 = arith.constant 0 : i32
      %dma_wait3A_160 = arith.constant 0 : i32
      %dma_wait3A_161 = tpu.memref_slice %arg7[%run_scoped3A_20, %dma_wait3A_159, %dma_wait3A_160] : memref<2x120x144xf32, #tpu.memory_space<vmem>> -> memref<1x120x144xf32, #tpu.memory_space<vmem>>
      %dma_wait3A_162 = tpu.memref_squeeze %dma_wait3A_161 : memref<1x120x144xf32, #tpu.memory_space<vmem>> -> memref<120x144xf32, #tpu.memory_space<vmem>>
      %dma_wait3A_163 = arith.constant 0 : i32
      %dma_wait3A_164 = tpu.memref_slice %arg9[%add3A_19, %dma_wait3A_163] : memref<10016x144xf32, #tpu.memory_space<vmem_shared>> -> memref<120x144xf32, #tpu.memory_space<vmem_shared>>
      %dma_wait3A_165 = arith.constant 0 : i32
      %dma_wait3A_166 = tpu.memref_slice %arg9[%add3A_19, %dma_wait3A_165] : memref<10016x144xf32, #tpu.memory_space<vmem_shared>> -> memref<120x144xf32, #tpu.memory_space<vmem_shared>>
      %dma_wait3A_167 = arith.constant 0 : i32
      %dma_wait3A_168 = arith.constant 0 : i32
      %dma_wait3A_169 = tpu.memref_slice %arg7[%run_scoped3A_20, %dma_wait3A_167, %dma_wait3A_168] : memref<2x120x144xf32, #tpu.memory_space<vmem>> -> memref<1x120x144xf32, #tpu.memory_space<vmem>>
      %dma_wait3A_170 = tpu.memref_squeeze %dma_wait3A_169 : memref<1x120x144xf32, #tpu.memory_space<vmem>> -> memref<120x144xf32, #tpu.memory_space<vmem>>
      tpu.wait_dma2 semaphore(%run_scoped3A_146 : memref<!tpu.dma_semaphore, #tpu.memory_space<semaphore_mem>>) src(%dma_wait3A_170 : memref<120x144xf32, #tpu.memory_space<vmem>>) dst(%dma_wait3A_166 : memref<120x144xf32, #tpu.memory_space<vmem_shared>>)
      tpu.yield
    }) : () -> ()
    %mul3A_21 = arith.constant 626 : i32
    %mul3A_22 = arith.muli %arg1, %mul3A_21 : i32
    %add3A_23 = arith.constant 360 : i32
    %add3A_24 = arith.addi %mul3A_22, %add3A_23 : i32
    %run_scoped3A_25 = arith.constant 0 : i32
    "tpu.region"() ({
      %run_scoped3A_146 = tpu.sem_alloc : memref<!tpu.dma_semaphore, #tpu.memory_space<semaphore_mem>>
      %dma_start3A_147 = arith.constant 0 : i32
      %dma_start3A_148 = arith.constant 0 : i32
      %dma_start3A_149 = tpu.memref_slice %arg7[%run_scoped3A_25, %dma_start3A_147, %dma_start3A_148] : memref<2x120x144xf32, #tpu.memory_space<vmem>> -> memref<1x120x144xf32, #tpu.memory_space<vmem>>
      %dma_start3A_150 = tpu.memref_squeeze %dma_start3A_149 : memref<1x120x144xf32, #tpu.memory_space<vmem>> -> memref<120x144xf32, #tpu.memory_space<vmem>>
      %dma_start3A_151 = arith.constant 0 : i32
      %dma_start3A_152 = tpu.memref_slice %arg9[%add3A_24, %dma_start3A_151] : memref<10016x144xf32, #tpu.memory_space<vmem_shared>> -> memref<120x144xf32, #tpu.memory_space<vmem_shared>>
      %dma_start3A_153 = arith.constant 0 : i32
      %dma_start3A_154 = tpu.memref_slice %arg9[%add3A_24, %dma_start3A_153] : memref<10016x144xf32, #tpu.memory_space<vmem_shared>> -> memref<120x144xf32, #tpu.memory_space<vmem_shared>>
      %dma_start3A_155 = arith.constant 0 : i32
      %dma_start3A_156 = arith.constant 0 : i32
      %dma_start3A_157 = tpu.memref_slice %arg7[%run_scoped3A_25, %dma_start3A_155, %dma_start3A_156] : memref<2x120x144xf32, #tpu.memory_space<vmem>> -> memref<1x120x144xf32, #tpu.memory_space<vmem>>
      %dma_start3A_158 = tpu.memref_squeeze %dma_start3A_157 : memref<1x120x144xf32, #tpu.memory_space<vmem>> -> memref<120x144xf32, #tpu.memory_space<vmem>>
      tpu.enqueue_dma source(%dma_start3A_158 : memref<120x144xf32, #tpu.memory_space<vmem>>) target(%dma_start3A_154 : memref<120x144xf32, #tpu.memory_space<vmem_shared>>) target_semaphore(%run_scoped3A_146 : memref<!tpu.dma_semaphore, #tpu.memory_space<semaphore_mem>>)
      %dma_wait3A_159 = arith.constant 0 : i32
      %dma_wait3A_160 = arith.constant 0 : i32
      %dma_wait3A_161 = tpu.memref_slice %arg7[%run_scoped3A_25, %dma_wait3A_159, %dma_wait3A_160] : memref<2x120x144xf32, #tpu.memory_space<vmem>> -> memref<1x120x144xf32, #tpu.memory_space<vmem>>
      %dma_wait3A_162 = tpu.memref_squeeze %dma_wait3A_161 : memref<1x120x144xf32, #tpu.memory_space<vmem>> -> memref<120x144xf32, #tpu.memory_space<vmem>>
      %dma_wait3A_163 = arith.constant 0 : i32
      %dma_wait3A_164 = tpu.memref_slice %arg9[%add3A_24, %dma_wait3A_163] : memref<10016x144xf32, #tpu.memory_space<vmem_shared>> -> memref<120x144xf32, #tpu.memory_space<vmem_shared>>
      %dma_wait3A_165 = arith.constant 0 : i32
      %dma_wait3A_166 = tpu.memref_slice %arg9[%add3A_24, %dma_wait3A_165] : memref<10016x144xf32, #tpu.memory_space<vmem_shared>> -> memref<120x144xf32, #tpu.memory_space<vmem_shared>>
      %dma_wait3A_167 = arith.constant 0 : i32
      %dma_wait3A_168 = arith.constant 0 : i32
      %dma_wait3A_169 = tpu.memref_slice %arg7[%run_scoped3A_25, %dma_wait3A_167, %dma_wait3A_168] : memref<2x120x144xf32, #tpu.memory_space<vmem>> -> memref<1x120x144xf32, #tpu.memory_space<vmem>>
      %dma_wait3A_170 = tpu.memref_squeeze %dma_wait3A_169 : memref<1x120x144xf32, #tpu.memory_space<vmem>> -> memref<120x144xf32, #tpu.memory_space<vmem>>
      tpu.wait_dma2 semaphore(%run_scoped3A_146 : memref<!tpu.dma_semaphore, #tpu.memory_space<semaphore_mem>>) src(%dma_wait3A_170 : memref<120x144xf32, #tpu.memory_space<vmem>>) dst(%dma_wait3A_166 : memref<120x144xf32, #tpu.memory_space<vmem_shared>>)
      tpu.yield
    }) : () -> ()
    %mul3A_26 = arith.constant 626 : i32
    %mul3A_27 = arith.muli %arg1, %mul3A_26 : i32
    %add3A_28 = arith.constant 480 : i32
    %add3A_29 = arith.addi %mul3A_27, %add3A_28 : i32
    %run_scoped3A_30 = arith.constant 0 : i32
    "tpu.region"() ({
      %run_scoped3A_146 = tpu.sem_alloc : memref<!tpu.dma_semaphore, #tpu.memory_space<semaphore_mem>>
      %dma_start3A_147 = arith.constant 0 : i32
      %dma_start3A_148 = arith.constant 0 : i32
      %dma_start3A_149 = tpu.memref_slice %arg7[%run_scoped3A_30, %dma_start3A_147, %dma_start3A_148] : memref<2x120x144xf32, #tpu.memory_space<vmem>> -> memref<1x120x144xf32, #tpu.memory_space<vmem>>
      %dma_start3A_150 = tpu.memref_squeeze %dma_start3A_149 : memref<1x120x144xf32, #tpu.memory_space<vmem>> -> memref<120x144xf32, #tpu.memory_space<vmem>>
      %dma_start3A_151 = arith.constant 0 : i32
      %dma_start3A_152 = tpu.memref_slice %arg9[%add3A_29, %dma_start3A_151] : memref<10016x144xf32, #tpu.memory_space<vmem_shared>> -> memref<120x144xf32, #tpu.memory_space<vmem_shared>>
      %dma_start3A_153 = arith.constant 0 : i32
      %dma_start3A_154 = tpu.memref_slice %arg9[%add3A_29, %dma_start3A_153] : memref<10016x144xf32, #tpu.memory_space<vmem_shared>> -> memref<120x144xf32, #tpu.memory_space<vmem_shared>>
      %dma_start3A_155 = arith.constant 0 : i32
      %dma_start3A_156 = arith.constant 0 : i32
      %dma_start3A_157 = tpu.memref_slice %arg7[%run_scoped3A_30, %dma_start3A_155, %dma_start3A_156] : memref<2x120x144xf32, #tpu.memory_space<vmem>> -> memref<1x120x144xf32, #tpu.memory_space<vmem>>
      %dma_start3A_158 = tpu.memref_squeeze %dma_start3A_157 : memref<1x120x144xf32, #tpu.memory_space<vmem>> -> memref<120x144xf32, #tpu.memory_space<vmem>>
      tpu.enqueue_dma source(%dma_start3A_158 : memref<120x144xf32, #tpu.memory_space<vmem>>) target(%dma_start3A_154 : memref<120x144xf32, #tpu.memory_space<vmem_shared>>) target_semaphore(%run_scoped3A_146 : memref<!tpu.dma_semaphore, #tpu.memory_space<semaphore_mem>>)
      %dma_wait3A_159 = arith.constant 0 : i32
      %dma_wait3A_160 = arith.constant 0 : i32
      %dma_wait3A_161 = tpu.memref_slice %arg7[%run_scoped3A_30, %dma_wait3A_159, %dma_wait3A_160] : memref<2x120x144xf32, #tpu.memory_space<vmem>> -> memref<1x120x144xf32, #tpu.memory_space<vmem>>
      %dma_wait3A_162 = tpu.memref_squeeze %dma_wait3A_161 : memref<1x120x144xf32, #tpu.memory_space<vmem>> -> memref<120x144xf32, #tpu.memory_space<vmem>>
      %dma_wait3A_163 = arith.constant 0 : i32
      %dma_wait3A_164 = tpu.memref_slice %arg9[%add3A_29, %dma_wait3A_163] : memref<10016x144xf32, #tpu.memory_space<vmem_shared>> -> memref<120x144xf32, #tpu.memory_space<vmem_shared>>
      %dma_wait3A_165 = arith.constant 0 : i32
      %dma_wait3A_166 = tpu.memref_slice %arg9[%add3A_29, %dma_wait3A_165] : memref<10016x144xf32, #tpu.memory_space<vmem_shared>> -> memref<120x144xf32, #tpu.memory_space<vmem_shared>>
      %dma_wait3A_167 = arith.constant 0 : i32
      %dma_wait3A_168 = arith.constant 0 : i32
      %dma_wait3A_169 = tpu.memref_slice %arg7[%run_scoped3A_30, %dma_wait3A_167, %dma_wait3A_168] : memref<2x120x144xf32, #tpu.memory_space<vmem>> -> memref<1x120x144xf32, #tpu.memory_space<vmem>>
      %dma_wait3A_170 = tpu.memref_squeeze %dma_wait3A_169 : memref<1x120x144xf32, #tpu.memory_space<vmem>> -> memref<120x144xf32, #tpu.memory_space<vmem>>
      tpu.wait_dma2 semaphore(%run_scoped3A_146 : memref<!tpu.dma_semaphore, #tpu.memory_space<semaphore_mem>>) src(%dma_wait3A_170 : memref<120x144xf32, #tpu.memory_space<vmem>>) dst(%dma_wait3A_166 : memref<120x144xf32, #tpu.memory_space<vmem_shared>>)
      tpu.yield
    }) : () -> ()
    %mul3A_31 = arith.constant 626 : i32
    %mul3A_32 = arith.muli %arg1, %mul3A_31 : i32
    %add3A_33 = arith.constant 600 : i32
    %add3A_34 = arith.addi %mul3A_32, %add3A_33 : i32
    %run_scoped3A_35 = arith.constant 0 : i32
    "tpu.region"() ({
      %run_scoped3A_146 = tpu.sem_alloc : memref<!tpu.dma_semaphore, #tpu.memory_space<semaphore_mem>>
      %dma_start3A_147 = arith.constant 0 : i32
      %dma_start3A_148 = arith.constant 0 : i32
      %dma_start3A_149 = tpu.memref_slice %arg7[%run_scoped3A_35, %dma_start3A_147, %dma_start3A_148] : memref<2x120x144xf32, #tpu.memory_space<vmem>> -> memref<1x120x144xf32, #tpu.memory_space<vmem>>
      %dma_start3A_150 = tpu.memref_squeeze %dma_start3A_149 : memref<1x120x144xf32, #tpu.memory_space<vmem>> -> memref<120x144xf32, #tpu.memory_space<vmem>>
      %dma_start3A_151 = arith.constant 0 : i32
      %dma_start3A_152 = arith.constant 0 : i32
      %dma_start3A_153 = tpu.memref_slice %dma_start3A_150[%dma_start3A_151, %dma_start3A_152] : memref<120x144xf32, #tpu.memory_space<vmem>> -> memref<26x144xf32, #tpu.memory_space<vmem>>
      %dma_start3A_154 = arith.constant 0 : i32
      %dma_start3A_155 = tpu.memref_slice %arg9[%add3A_34, %dma_start3A_154] : memref<10016x144xf32, #tpu.memory_space<vmem_shared>> -> memref<26x144xf32, #tpu.memory_space<vmem_shared>>
      %dma_start3A_156 = arith.constant 0 : i32
      %dma_start3A_157 = tpu.memref_slice %arg9[%add3A_34, %dma_start3A_156] : memref<10016x144xf32, #tpu.memory_space<vmem_shared>> -> memref<26x144xf32, #tpu.memory_space<vmem_shared>>
      %dma_start3A_158 = arith.constant 0 : i32
      %dma_start3A_159 = arith.constant 0 : i32
      %dma_start3A_160 = tpu.memref_slice %arg7[%run_scoped3A_35, %dma_start3A_158, %dma_start3A_159] : memref<2x120x144xf32, #tpu.memory_space<vmem>> -> memref<1x120x144xf32, #tpu.memory_space<vmem>>
      %dma_start3A_161 = tpu.memref_squeeze %dma_start3A_160 : memref<1x120x144xf32, #tpu.memory_space<vmem>> -> memref<120x144xf32, #tpu.memory_space<vmem>>
      %dma_start3A_162 = arith.constant 0 : i32
      %dma_start3A_163 = arith.constant 0 : i32
      %dma_start3A_164 = tpu.memref_slice %dma_start3A_161[%dma_start3A_162, %dma_start3A_163] : memref<120x144xf32, #tpu.memory_space<vmem>> -> memref<26x144xf32, #tpu.memory_space<vmem>>
      tpu.enqueue_dma source(%dma_start3A_164 : memref<26x144xf32, #tpu.memory_space<vmem>>) target(%dma_start3A_157 : memref<26x144xf32, #tpu.memory_space<vmem_shared>>) target_semaphore(%run_scoped3A_146 : memref<!tpu.dma_semaphore, #tpu.memory_space<semaphore_mem>>)
      %dma_wait3A_165 = arith.constant 0 : i32
      %dma_wait3A_166 = arith.constant 0 : i32
      %dma_wait3A_167 = tpu.memref_slice %arg7[%run_scoped3A_35, %dma_wait3A_165, %dma_wait3A_166] : memref<2x120x144xf32, #tpu.memory_space<vmem>> -> memref<1x120x144xf32, #tpu.memory_space<vmem>>
      %dma_wait3A_168 = tpu.memref_squeeze %dma_wait3A_167 : memref<1x120x144xf32, #tpu.memory_space<vmem>> -> memref<120x144xf32, #tpu.memory_space<vmem>>
      %dma_wait3A_169 = arith.constant 0 : i32
      %dma_wait3A_170 = arith.constant 0 : i32
      %dma_wait3A_171 = tpu.memref_slice %dma_wait3A_168[%dma_wait3A_169, %dma_wait3A_170] : memref<120x144xf32, #tpu.memory_space<vmem>> -> memref<26x144xf32, #tpu.memory_space<vmem>>
      %dma_wait3A_172 = arith.constant 0 : i32
      %dma_wait3A_173 = tpu.memref_slice %arg9[%add3A_34, %dma_wait3A_172] : memref<10016x144xf32, #tpu.memory_space<vmem_shared>> -> memref<26x144xf32, #tpu.memory_space<vmem_shared>>
      %dma_wait3A_174 = arith.constant 0 : i32
      %dma_wait3A_175 = tpu.memref_slice %arg9[%add3A_34, %dma_wait3A_174] : memref<10016x144xf32, #tpu.memory_space<vmem_shared>> -> memref<26x144xf32, #tpu.memory_space<vmem_shared>>
      %dma_wait3A_176 = arith.constant 0 : i32
      %dma_wait3A_177 = arith.constant 0 : i32
      %dma_wait3A_178 = tpu.memref_slice %arg7[%run_scoped3A_35, %dma_wait3A_176, %dma_wait3A_177] : memref<2x120x144xf32, #tpu.memory_space<vmem>> -> memref<1x120x144xf32, #tpu.memory_space<vmem>>
      %dma_wait3A_179 = tpu.memref_squeeze %dma_wait3A_178 : memref<1x120x144xf32, #tpu.memory_space<vmem>> -> memref<120x144xf32, #tpu.memory_space<vmem>>
      %dma_wait3A_180 = arith.constant 0 : i32
      %dma_wait3A_181 = arith.constant 0 : i32
      %dma_wait3A_182 = tpu.memref_slice %dma_wait3A_179[%dma_wait3A_180, %dma_wait3A_181] : memref<120x144xf32, #tpu.memory_space<vmem>> -> memref<26x144xf32, #tpu.memory_space<vmem>>
      tpu.wait_dma2 semaphore(%run_scoped3A_146 : memref<!tpu.dma_semaphore, #tpu.memory_space<semaphore_mem>>) src(%dma_wait3A_182 : memref<26x144xf32, #tpu.memory_space<vmem>>) dst(%dma_wait3A_175 : memref<26x144xf32, #tpu.memory_space<vmem_shared>>)
      tpu.yield
    }) : () -> ()
    %barrier3A = arith.constant 0 : index
    tpu.barrier barrier_id(%barrier3A)
    %broadcast_in_dim3A_36 = arith.constant 0 : i32
    %broadcast_in_dim3A_37 = vector.broadcast %broadcast_in_dim3A_36 : i32 to vector<16x1xi32>
    %broadcast_in_dim3A_38 = arith.constant 1 : i32
    %broadcast_in_dim3A_39 = vector.broadcast %broadcast_in_dim3A_38 : i32 to vector<16x1xi32>
    %broadcast_in_dim3A_40 = arith.constant 2 : i32
    %broadcast_in_dim3A_41 = vector.broadcast %broadcast_in_dim3A_40 : i32 to vector<16x1xi32>
    %broadcast_in_dim3A_42 = arith.constant 3 : i32
    %broadcast_in_dim3A_43 = vector.broadcast %broadcast_in_dim3A_42 : i32 to vector<16x1xi32>
    %broadcast_in_dim3A_44 = arith.constant 4 : i32
    %broadcast_in_dim3A_45 = vector.broadcast %broadcast_in_dim3A_44 : i32 to vector<16x1xi32>
    %broadcast_in_dim3A_46 = arith.constant 5 : i32
    %broadcast_in_dim3A_47 = vector.broadcast %broadcast_in_dim3A_46 : i32 to vector<16x1xi32>
    %broadcast_in_dim3A_48 = arith.constant 6 : i32
    %broadcast_in_dim3A_49 = vector.broadcast %broadcast_in_dim3A_48 : i32 to vector<16x1xi32>
    %broadcast_in_dim3A_50 = arith.constant 7 : i32
    %broadcast_in_dim3A_51 = vector.broadcast %broadcast_in_dim3A_50 : i32 to vector<16x1xi32>
    %mul3A_52 = arith.constant 84 : i32
    %mul3A_53 = arith.muli %add3A, %mul3A_52 : i32
    %add3A_54 = arith.constant 0 : i32
    %add3A_55 = arith.addi %mul3A_53, %add3A_54 : i32
    %dma_start3A = arith.constant 0 : i32
    %dma_start3A_56 = arith.constant 0 : i32
    %dma_start3A_57 = arith.constant 0 : i32
    %dma_start3A_58 = tpu.memref_slice %arg6[%dma_start3A, %dma_start3A_56, %dma_start3A_57] : memref<2x2x120xi32, #tpu.memory_space<vmem>> -> memref<1x2x120xi32, #tpu.memory_space<vmem>>
    %dma_start3A_59 = tpu.memref_squeeze %dma_start3A_58 : memref<1x2x120xi32, #tpu.memory_space<vmem>> -> memref<2x120xi32, #tpu.memory_space<vmem>>
    %dma_start3A_60 = arith.constant 0 : i32
    %dma_start3A_61 = arith.constant 0 : i32
    %dma_start3A_62 = tpu.memref_slice %arg4[%add3A_55, %dma_start3A_60, %dma_start3A_61] : memref<2688x2x120xi32, #tpu.memory_space<hbm>> -> memref<1x2x120xi32, #tpu.memory_space<hbm>>
    %dma_start3A_63 = tpu.memref_squeeze %dma_start3A_62 : memref<1x2x120xi32, #tpu.memory_space<hbm>> -> memref<2x120xi32, #tpu.memory_space<hbm>>
    %dma_start3A_64 = arith.constant 0 : i32
    %dma_start3A_65 = arith.constant 0 : i32
    %dma_start3A_66 = tpu.memref_slice %arg6[%dma_start3A, %dma_start3A_64, %dma_start3A_65] : memref<2x2x120xi32, #tpu.memory_space<vmem>> -> memref<1x2x120xi32, #tpu.memory_space<vmem>>
    %dma_start3A_67 = tpu.memref_squeeze %dma_start3A_66 : memref<1x2x120xi32, #tpu.memory_space<vmem>> -> memref<2x120xi32, #tpu.memory_space<vmem>>
    %dma_start3A_68 = arith.constant 0 : i32
    %dma_start3A_69 = arith.constant 0 : i32
    %dma_start3A_70 = tpu.memref_slice %arg4[%add3A_55, %dma_start3A_68, %dma_start3A_69] : memref<2688x2x120xi32, #tpu.memory_space<hbm>> -> memref<1x2x120xi32, #tpu.memory_space<hbm>>
    %dma_start3A_71 = tpu.memref_squeeze %dma_start3A_70 : memref<1x2x120xi32, #tpu.memory_space<hbm>> -> memref<2x120xi32, #tpu.memory_space<hbm>>
    tpu.enqueue_dma source(%dma_start3A_71 : memref<2x120xi32, #tpu.memory_space<hbm>>) target(%dma_start3A_67 : memref<2x120xi32, #tpu.memory_space<vmem>>) target_semaphore(%arg10 : memref<!tpu.dma_semaphore, #tpu.memory_space<semaphore_mem>>)
    %dma_wait3A = arith.constant 0 : i32
    %dma_wait3A_72 = arith.constant 0 : i32
    %dma_wait3A_73 = arith.constant 0 : i32
    %dma_wait3A_74 = tpu.memref_slice %arg6[%dma_wait3A, %dma_wait3A_72, %dma_wait3A_73] : memref<2x2x120xi32, #tpu.memory_space<vmem>> -> memref<1x2x120xi32, #tpu.memory_space<vmem>>
    %dma_wait3A_75 = tpu.memref_squeeze %dma_wait3A_74 : memref<1x2x120xi32, #tpu.memory_space<vmem>> -> memref<2x120xi32, #tpu.memory_space<vmem>>
    %dma_wait3A_76 = arith.constant 0 : i32
    %dma_wait3A_77 = arith.constant 0 : i32
    %dma_wait3A_78 = tpu.memref_slice %arg4[%add3A_55, %dma_wait3A_76, %dma_wait3A_77] : memref<2688x2x120xi32, #tpu.memory_space<hbm>> -> memref<1x2x120xi32, #tpu.memory_space<hbm>>
    %dma_wait3A_79 = tpu.memref_squeeze %dma_wait3A_78 : memref<1x2x120xi32, #tpu.memory_space<hbm>> -> memref<2x120xi32, #tpu.memory_space<hbm>>
    %dma_wait3A_80 = arith.constant 0 : i32
    %dma_wait3A_81 = arith.constant 0 : i32
    %dma_wait3A_82 = tpu.memref_slice %arg6[%dma_wait3A, %dma_wait3A_80, %dma_wait3A_81] : memref<2x2x120xi32, #tpu.memory_space<vmem>> -> memref<1x2x120xi32, #tpu.memory_space<vmem>>
    %dma_wait3A_83 = tpu.memref_squeeze %dma_wait3A_82 : memref<1x2x120xi32, #tpu.memory_space<vmem>> -> memref<2x120xi32, #tpu.memory_space<vmem>>
    %dma_wait3A_84 = arith.constant 0 : i32
    %dma_wait3A_85 = arith.constant 0 : i32
    %dma_wait3A_86 = tpu.memref_slice %arg4[%add3A_55, %dma_wait3A_84, %dma_wait3A_85] : memref<2688x2x120xi32, #tpu.memory_space<hbm>> -> memref<1x2x120xi32, #tpu.memory_space<hbm>>
    %dma_wait3A_87 = tpu.memref_squeeze %dma_wait3A_86 : memref<1x2x120xi32, #tpu.memory_space<hbm>> -> memref<2x120xi32, #tpu.memory_space<hbm>>
    tpu.wait_dma2 semaphore(%arg10 : memref<!tpu.dma_semaphore, #tpu.memory_space<semaphore_mem>>) src(%dma_wait3A_87 : memref<2x120xi32, #tpu.memory_space<hbm>>) dst(%dma_wait3A_83 : memref<2x120xi32, #tpu.memory_space<vmem>>)
    %dma_start3A_88 = arith.constant 0 : i32
    %dma_start3A_89 = arith.constant 0 : i32
    %dma_start3A_90 = arith.constant 0 : i32
    %dma_start3A_91 = arith.constant 0 : i32
    %dma_start3A_92 = arith.constant 0 : i32
    %dma_start3A_93 = tpu.memref_slice %arg7[%dma_start3A_90, %dma_start3A_91, %dma_start3A_92] : memref<2x120x144xf32, #tpu.memory_space<vmem>> -> memref<1x120x144xf32, #tpu.memory_space<vmem>>
    %dma_start3A_94 = tpu.memref_squeeze %dma_start3A_93 : memref<1x120x144xf32, #tpu.memory_space<vmem>> -> memref<120x144xf32, #tpu.memory_space<vmem>>
    %dma_start3A_95 = arith.constant 0 : i32
    %dma_start3A_96 = tpu.memref_slice %arg6[%dma_start3A_88, %dma_start3A_89, %dma_start3A_95] : memref<2x2x120xi32, #tpu.memory_space<vmem>> -> memref<1x1x120xi32, #tpu.memory_space<vmem>>
    %dma_start3A_97 = tpu.memref_squeeze %dma_start3A_96 : memref<1x1x120xi32, #tpu.memory_space<vmem>> -> memref<120xi32, #tpu.memory_space<vmem>>
    %dma_start3A_98 = arith.constant 0 : i32
    %dma_start3A_99 = arith.constant 0 : i32
    %dma_start3A_100 = tpu.memref_slice %arg2[%dma_start3A_98, %dma_start3A_99] : memref<10000x144xf32, #tpu.memory_space<hbm>> -> memref<10000x144xf32, #tpu.memory_space<hbm>>
    tpu.enqueue_indirect_dma source(%dma_start3A_100 : memref<10000x144xf32, #tpu.memory_space<hbm>>) target(%dma_start3A_94 : memref<120x144xf32, #tpu.memory_space<vmem>>) offsets(%dma_start3A_97 : memref<120xi32, #tpu.memory_space<vmem>>) semaphore(%arg12 : memref<!tpu.dma_semaphore, #tpu.memory_space<semaphore_mem>>)
    %dma_start3A_101 = arith.constant 0 : i32
    %dma_start3A_102 = arith.constant 1 : i32
    %dma_start3A_103 = arith.constant 0 : i32
    %dma_start3A_104 = arith.constant 0 : i32
    %dma_start3A_105 = arith.constant 0 : i32
    %dma_start3A_106 = tpu.memref_slice %arg8[%dma_start3A_103, %dma_start3A_104, %dma_start3A_105] : memref<2x120x16xf32, #tpu.memory_space<vmem>> -> memref<1x120x16xf32, #tpu.memory_space<vmem>>
    %dma_start3A_107 = tpu.memref_squeeze %dma_start3A_106 : memref<1x120x16xf32, #tpu.memory_space<vmem>> -> memref<120x16xf32, #tpu.memory_space<vmem>>
    %dma_start3A_108 = arith.constant 0 : i32
    %dma_start3A_109 = tpu.memref_slice %arg6[%dma_start3A_101, %dma_start3A_102, %dma_start3A_108] : memref<2x2x120xi32, #tpu.memory_space<vmem>> -> memref<1x1x120xi32, #tpu.memory_space<vmem>>
    %dma_start3A_110 = tpu.memref_squeeze %dma_start3A_109 : memref<1x1x120xi32, #tpu.memory_space<vmem>> -> memref<120xi32, #tpu.memory_space<vmem>>
    %dma_start3A_111 = arith.constant 0 : i32
    %dma_start3A_112 = arith.constant 0 : i32
    %dma_start3A_113 = tpu.memref_slice %arg3[%dma_start3A_111, %dma_start3A_112] : memref<10000x16xf32, #tpu.memory_space<hbm>> -> memref<10000x16xf32, #tpu.memory_space<hbm>>
    tpu.enqueue_indirect_dma source(%dma_start3A_113 : memref<10000x16xf32, #tpu.memory_space<hbm>>) target(%dma_start3A_107 : memref<120x16xf32, #tpu.memory_space<vmem>>) offsets(%dma_start3A_110 : memref<120xi32, #tpu.memory_space<vmem>>) semaphore(%arg12 : memref<!tpu.dma_semaphore, #tpu.memory_space<semaphore_mem>>)
    %mul3A_114 = arith.constant 84 : i32
    %mul3A_115 = arith.muli %add3A, %mul3A_114 : i32
    %add3A_116 = arith.constant 1 : i32
    %add3A_117 = arith.addi %mul3A_115, %add3A_116 : i32
    %dma_start3A_118 = arith.constant 1 : i32
    %dma_start3A_119 = arith.constant 0 : i32
    %dma_start3A_120 = arith.constant 0 : i32
    %dma_start3A_121 = tpu.memref_slice %arg6[%dma_start3A_118, %dma_start3A_119, %dma_start3A_120] : memref<2x2x120xi32, #tpu.memory_space<vmem>> -> memref<1x2x120xi32, #tpu.memory_space<vmem>>
    %dma_start3A_122 = tpu.memref_squeeze %dma_start3A_121 : memref<1x2x120xi32, #tpu.memory_space<vmem>> -> memref<2x120xi32, #tpu.memory_space<vmem>>
    %dma_start3A_123 = arith.constant 0 : i32
    %dma_start3A_124 = arith.constant 0 : i32
    %dma_start3A_125 = tpu.memref_slice %arg4[%add3A_117, %dma_start3A_123, %dma_start3A_124] : memref<2688x2x120xi32, #tpu.memory_space<hbm>> -> memref<1x2x120xi32, #tpu.memory_space<hbm>>
    %dma_start3A_126 = tpu.memref_squeeze %dma_start3A_125 : memref<1x2x120xi32, #tpu.memory_space<hbm>> -> memref<2x120xi32, #tpu.memory_space<hbm>>
    %dma_start3A_127 = arith.constant 0 : i32
    %dma_start3A_128 = arith.constant 0 : i32
    %dma_start3A_129 = tpu.memref_slice %arg6[%dma_start3A_118, %dma_start3A_127, %dma_start3A_128] : memref<2x2x120xi32, #tpu.memory_space<vmem>> -> memref<1x2x120xi32, #tpu.memory_space<vmem>>
    %dma_start3A_130 = tpu.memref_squeeze %dma_start3A_129 : memref<1x2x120xi32, #tpu.memory_space<vmem>> -> memref<2x120xi32, #tpu.memory_space<vmem>>
    %dma_start3A_131 = arith.constant 0 : i32
    %dma_start3A_132 = arith.constant 0 : i32
    %dma_start3A_133 = tpu.memref_slice %arg4[%add3A_117, %dma_start3A_131, %dma_start3A_132] : memref<2688x2x120xi32, #tpu.memory_space<hbm>> -> memref<1x2x120xi32, #tpu.memory_space<hbm>>
    %dma_start3A_134 = tpu.memref_squeeze %dma_start3A_133 : memref<1x2x120xi32, #tpu.memory_space<hbm>> -> memref<2x120xi32, #tpu.memory_space<hbm>>
    tpu.enqueue_dma source(%dma_start3A_134 : memref<2x120xi32, #tpu.memory_space<hbm>>) target(%dma_start3A_130 : memref<2x120xi32, #tpu.memory_space<vmem>>) target_semaphore(%arg11 : memref<!tpu.dma_semaphore, #tpu.memory_space<semaphore_mem>>)
    %scan3A_135 = arith.constant 0 : i32
    %scan3A_136 = arith.constant 0 : i32
    %scan3A_137 = arith.constant 42 : i32
    %scan3A_138 = arith.addi %scan3A_136, %scan3A_137 : i32
    %scan3A_139 = arith.constant 1 : i32
    scf.for %scan3A_146 = %scan3A_136 to %scan3A_138 step %scan3A_139  : i32 {
      %mul3A_147 = arith.constant 2 : i32
      %mul3A_148 = arith.muli %mul3A_147, %scan3A_146 : i32
      %add3A_149 = arith.constant 0 : i32
      %add3A_150 = arith.addi %mul3A_148, %add3A_149 : i32
      %add3A_151 = arith.constant 1 : i32
      %add3A_152 = arith.addi %add3A_150, %add3A_151 : i32
      %lt3A = arith.constant 84 : i32
      %lt3A_153 = arith.cmpi slt, %add3A_152, %lt3A : i32
      %convert_element_type3A = arith.extui %lt3A_153 : i1 to i32
      %cond3A = arith.constant 0 : i32
      %cond3A_154 = arith.cmpi ne, %convert_element_type3A, %cond3A : i32
      scf.if %cond3A_154 {
        %add3A_243 = arith.constant 1 : i32
        %add3A_244 = arith.addi %add3A_150, %add3A_243 : i32
        %mul3A_245 = arith.constant 84 : i32
        %mul3A_246 = arith.muli %add3A, %mul3A_245 : i32
        %add3A_247 = arith.addi %mul3A_246, %add3A_244 : i32
        %dma_wait3A_248 = arith.constant 1 : i32
        %dma_wait3A_249 = arith.constant 0 : i32
        %dma_wait3A_250 = arith.constant 0 : i32
        %dma_wait3A_251 = tpu.memref_slice %arg6[%dma_wait3A_248, %dma_wait3A_249, %dma_wait3A_250] : memref<2x2x120xi32, #tpu.memory_space<vmem>> -> memref<1x2x120xi32, #tpu.memory_space<vmem>>
        %dma_wait3A_252 = tpu.memref_squeeze %dma_wait3A_251 : memref<1x2x120xi32, #tpu.memory_space<vmem>> -> memref<2x120xi32, #tpu.memory_space<vmem>>
        %dma_wait3A_253 = arith.constant 0 : i32
        %dma_wait3A_254 = arith.constant 0 : i32
        %dma_wait3A_255 = tpu.memref_slice %arg4[%add3A_247, %dma_wait3A_253, %dma_wait3A_254] : memref<2688x2x120xi32, #tpu.memory_space<hbm>> -> memref<1x2x120xi32, #tpu.memory_space<hbm>>
        %dma_wait3A_256 = tpu.memref_squeeze %dma_wait3A_255 : memref<1x2x120xi32, #tpu.memory_space<hbm>> -> memref<2x120xi32, #tpu.memory_space<hbm>>
        %dma_wait3A_257 = arith.constant 0 : i32
        %dma_wait3A_258 = arith.constant 0 : i32
        %dma_wait3A_259 = tpu.memref_slice %arg6[%dma_wait3A_248, %dma_wait3A_257, %dma_wait3A_258] : memref<2x2x120xi32, #tpu.memory_space<vmem>> -> memref<1x2x120xi32, #tpu.memory_space<vmem>>
        %dma_wait3A_260 = tpu.memref_squeeze %dma_wait3A_259 : memref<1x2x120xi32, #tpu.memory_space<vmem>> -> memref<2x120xi32, #tpu.memory_space<vmem>>
        %dma_wait3A_261 = arith.constant 0 : i32
        %dma_wait3A_262 = arith.constant 0 : i32
        %dma_wait3A_263 = tpu.memref_slice %arg4[%add3A_247, %dma_wait3A_261, %dma_wait3A_262] : memref<2688x2x120xi32, #tpu.memory_space<hbm>> -> memref<1x2x120xi32, #tpu.memory_space<hbm>>
        %dma_wait3A_264 = tpu.memref_squeeze %dma_wait3A_263 : memref<1x2x120xi32, #tpu.memory_space<hbm>> -> memref<2x120xi32, #tpu.memory_space<hbm>>
        tpu.wait_dma2 semaphore(%arg11 : memref<!tpu.dma_semaphore, #tpu.memory_space<semaphore_mem>>) src(%dma_wait3A_264 : memref<2x120xi32, #tpu.memory_space<hbm>>) dst(%dma_wait3A_260 : memref<2x120xi32, #tpu.memory_space<vmem>>)
        %dma_start3A_265 = arith.constant 1 : i32
        %dma_start3A_266 = arith.constant 0 : i32
        %dma_start3A_267 = arith.constant 1 : i32
        %dma_start3A_268 = arith.constant 0 : i32
        %dma_start3A_269 = arith.constant 0 : i32
        %dma_start3A_270 = tpu.memref_slice %arg7[%dma_start3A_267, %dma_start3A_268, %dma_start3A_269] : memref<2x120x144xf32, #tpu.memory_space<vmem>> -> memref<1x120x144xf32, #tpu.memory_space<vmem>>
        %dma_start3A_271 = tpu.memref_squeeze %dma_start3A_270 : memref<1x120x144xf32, #tpu.memory_space<vmem>> -> memref<120x144xf32, #tpu.memory_space<vmem>>
        %dma_start3A_272 = arith.constant 0 : i32
        %dma_start3A_273 = tpu.memref_slice %arg6[%dma_start3A_265, %dma_start3A_266, %dma_start3A_272] : memref<2x2x120xi32, #tpu.memory_space<vmem>> -> memref<1x1x120xi32, #tpu.memory_space<vmem>>
        %dma_start3A_274 = tpu.memref_squeeze %dma_start3A_273 : memref<1x1x120xi32, #tpu.memory_space<vmem>> -> memref<120xi32, #tpu.memory_space<vmem>>
        %dma_start3A_275 = arith.constant 0 : i32
        %dma_start3A_276 = arith.constant 0 : i32
        %dma_start3A_277 = tpu.memref_slice %arg2[%dma_start3A_275, %dma_start3A_276] : memref<10000x144xf32, #tpu.memory_space<hbm>> -> memref<10000x144xf32, #tpu.memory_space<hbm>>
        tpu.enqueue_indirect_dma source(%dma_start3A_277 : memref<10000x144xf32, #tpu.memory_space<hbm>>) target(%dma_start3A_271 : memref<120x144xf32, #tpu.memory_space<vmem>>) offsets(%dma_start3A_274 : memref<120xi32, #tpu.memory_space<vmem>>) semaphore(%arg13 : memref<!tpu.dma_semaphore, #tpu.memory_space<semaphore_mem>>)
        %dma_start3A_278 = arith.constant 1 : i32
        %dma_start3A_279 = arith.constant 1 : i32
        %dma_start3A_280 = arith.constant 1 : i32
        %dma_start3A_281 = arith.constant 0 : i32
        %dma_start3A_282 = arith.constant 0 : i32
        %dma_start3A_283 = tpu.memref_slice %arg8[%dma_start3A_280, %dma_start3A_281, %dma_start3A_282] : memref<2x120x16xf32, #tpu.memory_space<vmem>> -> memref<1x120x16xf32, #tpu.memory_space<vmem>>
        %dma_start3A_284 = tpu.memref_squeeze %dma_start3A_283 : memref<1x120x16xf32, #tpu.memory_space<vmem>> -> memref<120x16xf32, #tpu.memory_space<vmem>>
        %dma_start3A_285 = arith.constant 0 : i32
        %dma_start3A_286 = tpu.memref_slice %arg6[%dma_start3A_278, %dma_start3A_279, %dma_start3A_285] : memref<2x2x120xi32, #tpu.memory_space<vmem>> -> memref<1x1x120xi32, #tpu.memory_space<vmem>>
        %dma_start3A_287 = tpu.memref_squeeze %dma_start3A_286 : memref<1x1x120xi32, #tpu.memory_space<vmem>> -> memref<120xi32, #tpu.memory_space<vmem>>
        %dma_start3A_288 = arith.constant 0 : i32
        %dma_start3A_289 = arith.constant 0 : i32
        %dma_start3A_290 = tpu.memref_slice %arg3[%dma_start3A_288, %dma_start3A_289] : memref<10000x16xf32, #tpu.memory_space<hbm>> -> memref<10000x16xf32, #tpu.memory_space<hbm>>
        tpu.enqueue_indirect_dma source(%dma_start3A_290 : memref<10000x16xf32, #tpu.memory_space<hbm>>) target(%dma_start3A_284 : memref<120x16xf32, #tpu.memory_space<vmem>>) offsets(%dma_start3A_287 : memref<120xi32, #tpu.memory_space<vmem>>) semaphore(%arg13 : memref<!tpu.dma_semaphore, #tpu.memory_space<semaphore_mem>>)
      } else {
      }
      %dma_wait3A_155 = arith.constant 0 : i32
      %dma_wait3A_156 = arith.constant 0 : i32
      %dma_wait3A_157 = arith.constant 0 : i32
      %dma_wait3A_158 = arith.constant 0 : i32
      %dma_wait3A_159 = arith.constant 0 : i32
      %dma_wait3A_160 = tpu.memref_slice %arg7[%dma_wait3A_157, %dma_wait3A_158, %dma_wait3A_159] : memref<2x120x144xf32, #tpu.memory_space<vmem>> -> memref<1x120x144xf32, #tpu.memory_space<vmem>>
      %dma_wait3A_161 = tpu.memref_squeeze %dma_wait3A_160 : memref<1x120x144xf32, #tpu.memory_space<vmem>> -> memref<120x144xf32, #tpu.memory_space<vmem>>
      %dma_wait3A_162 = arith.constant 0 : i32
      %dma_wait3A_163 = tpu.memref_slice %arg6[%dma_wait3A_155, %dma_wait3A_156, %dma_wait3A_162] : memref<2x2x120xi32, #tpu.memory_space<vmem>> -> memref<1x1x120xi32, #tpu.memory_space<vmem>>
      %dma_wait3A_164 = tpu.memref_squeeze %dma_wait3A_163 : memref<1x1x120xi32, #tpu.memory_space<vmem>> -> memref<120xi32, #tpu.memory_space<vmem>>
      %dma_wait3A_165 = arith.constant 0 : i32
      %dma_wait3A_166 = arith.constant 0 : i32
      %dma_wait3A_167 = tpu.memref_slice %arg2[%dma_wait3A_165, %dma_wait3A_166] : memref<10000x144xf32, #tpu.memory_space<hbm>> -> memref<10000x144xf32, #tpu.memory_space<hbm>>
      tpu.wait_indirect_dma semaphore(%arg12 : memref<!tpu.dma_semaphore, #tpu.memory_space<semaphore_mem>>) src(%dma_wait3A_167 : memref<10000x144xf32, #tpu.memory_space<hbm>>) dst(%dma_wait3A_161 : memref<120x144xf32, #tpu.memory_space<vmem>>)
      %dma_wait3A_168 = arith.constant 0 : i32
      %dma_wait3A_169 = arith.constant 1 : i32
      %dma_wait3A_170 = arith.constant 0 : i32
      %dma_wait3A_171 = arith.constant 0 : i32
      %dma_wait3A_172 = arith.constant 0 : i32
      %dma_wait3A_173 = tpu.memref_slice %arg8[%dma_wait3A_170, %dma_wait3A_171, %dma_wait3A_172] : memref<2x120x16xf32, #tpu.memory_space<vmem>> -> memref<1x120x16xf32, #tpu.memory_space<vmem>>
      %dma_wait3A_174 = tpu.memref_squeeze %dma_wait3A_173 : memref<1x120x16xf32, #tpu.memory_space<vmem>> -> memref<120x16xf32, #tpu.memory_space<vmem>>
      %dma_wait3A_175 = arith.constant 0 : i32
      %dma_wait3A_176 = tpu.memref_slice %arg6[%dma_wait3A_168, %dma_wait3A_169, %dma_wait3A_175] : memref<2x2x120xi32, #tpu.memory_space<vmem>> -> memref<1x1x120xi32, #tpu.memory_space<vmem>>
      %dma_wait3A_177 = tpu.memref_squeeze %dma_wait3A_176 : memref<1x1x120xi32, #tpu.memory_space<vmem>> -> memref<120xi32, #tpu.memory_space<vmem>>
      %dma_wait3A_178 = arith.constant 0 : i32
      %dma_wait3A_179 = arith.constant 0 : i32
      %dma_wait3A_180 = tpu.memref_slice %arg3[%dma_wait3A_178, %dma_wait3A_179] : memref<10000x16xf32, #tpu.memory_space<hbm>> -> memref<10000x16xf32, #tpu.memory_space<hbm>>
      tpu.wait_indirect_dma semaphore(%arg12 : memref<!tpu.dma_semaphore, #tpu.memory_space<semaphore_mem>>) src(%dma_wait3A_180 : memref<10000x16xf32, #tpu.memory_space<hbm>>) dst(%dma_wait3A_174 : memref<120x16xf32, #tpu.memory_space<vmem>>)
      %parallel_loop3A = arith.constant 0 : i32
      %parallel_loop3A_181 = arith.constant 120 : i32
      %parallel_loop3A_182 = arith.constant 1 : i32
      scf.for %parallel_loop3A_243 = %parallel_loop3A to %parallel_loop3A_181 step %parallel_loop3A_182  : i32 {
        %parallel_loop3A_244 = arith.constant 0 : i32
        %parallel_loop3A_245 = arith.index_cast %parallel_loop3A_244 : i32 to index
        %parallel_loop3A_246 = arith.index_cast %parallel_loop3A_243 : i32 to index
        %parallel_loop3A_247 = arith.constant 128 : index
        %parallel_loop3A_248 = tpu.vector_load %arg7[%parallel_loop3A_245, %parallel_loop3A_246, %parallel_loop3A_247] {strides = array<i32>} : memref<2x120x144xf32, #tpu.memory_space<vmem>>, vector<16xf32>,
        %parallel_loop3A_249 = arith.constant 0 : i32
        %parallel_loop3A_250 = arith.index_cast %parallel_loop3A_249 : i32 to index
        %parallel_loop3A_251 = arith.index_cast %parallel_loop3A_243 : i32 to index
        %parallel_loop3A_252 = arith.constant 0 : index
        %parallel_loop3A_253 = tpu.vector_load %arg8[%parallel_loop3A_250, %parallel_loop3A_251, %parallel_loop3A_252] {strides = array<i32>} : memref<2x120x16xf32, #tpu.memory_space<vmem>>, vector<16xf32>,
        %parallel_loop3A_254 = arith.addf %parallel_loop3A_248, %parallel_loop3A_253 : vector<16xf32>
        %parallel_loop3A_255 = arith.constant 2.000000e-01 : f32
        %parallel_loop3A_256 = vector.broadcast %parallel_loop3A_255 : f32 to vector<16xf32>
        %parallel_loop3A_257 = arith.mulf %parallel_loop3A_256, %parallel_loop3A_254 : vector<16xf32>
        %parallel_loop3A_258 = arith.maximumf %parallel_loop3A_254, %parallel_loop3A_257 : vector<16xf32>
        %parallel_loop3A_259 = math.exp %parallel_loop3A_258 : vector<16xf32>
        %parallel_loop3A_260 = arith.constant 0 : i32
        %parallel_loop3A_261 = arith.index_cast %parallel_loop3A_260 : i32 to index
        %parallel_loop3A_262 = arith.index_cast %parallel_loop3A_243 : i32 to index
        %parallel_loop3A_263 = arith.constant 128 : index
        %parallel_loop3A_264 = tpu.vector_load %arg7[%parallel_loop3A_261, %parallel_loop3A_262, %parallel_loop3A_263] {strides = array<i32>} : memref<2x120x144xf32, #tpu.memory_space<vmem>>, vector<16xf32>,
        tpu.vector_store %arg7[%parallel_loop3A_261, %parallel_loop3A_262, %parallel_loop3A_263], %parallel_loop3A_259 {strides = array<i32>} : memref<2x120x144xf32, #tpu.memory_space<vmem>>, vector<16xf32>,
        %parallel_loop3A_265 = vector.shape_cast %broadcast_in_dim3A_37 : vector<16x1xi32> to vector<16xi32>
        %parallel_loop3A_266 = tpu.dynamic_gather %parallel_loop3A_259[%parallel_loop3A_265] in [0] : vector<16xf32>, vector<16xi32> -> vector<16xf32>
        %parallel_loop3A_267 = arith.constant 0 : i32
        %parallel_loop3A_268 = arith.index_cast %parallel_loop3A_267 : i32 to index
        %parallel_loop3A_269 = arith.index_cast %parallel_loop3A_243 : i32 to index
        %parallel_loop3A_270 = arith.constant 0 : index
        %parallel_loop3A_271 = tpu.vector_load %arg7[%parallel_loop3A_268, %parallel_loop3A_269, %parallel_loop3A_270] {strides = array<i32>} : memref<2x120x144xf32, #tpu.memory_space<vmem>>, vector<16xf32>,
        %parallel_loop3A_272 = arith.mulf %parallel_loop3A_271, %parallel_loop3A_266 : vector<16xf32>
        %parallel_loop3A_273 = arith.constant 0 : i32
        %parallel_loop3A_274 = arith.index_cast %parallel_loop3A_273 : i32 to index
        %parallel_loop3A_275 = arith.index_cast %parallel_loop3A_243 : i32 to index
        %parallel_loop3A_276 = arith.constant 0 : index
        %parallel_loop3A_277 = tpu.vector_load %arg7[%parallel_loop3A_274, %parallel_loop3A_275, %parallel_loop3A_276] {strides = array<i32>} : memref<2x120x144xf32, #tpu.memory_space<vmem>>, vector<16xf32>,
        tpu.vector_store %arg7[%parallel_loop3A_274, %parallel_loop3A_275, %parallel_loop3A_276], %parallel_loop3A_272 {strides = array<i32>} : memref<2x120x144xf32, #tpu.memory_space<vmem>>, vector<16xf32>,
        %parallel_loop3A_278 = vector.shape_cast %broadcast_in_dim3A_39 : vector<16x1xi32> to vector<16xi32>
        %parallel_loop3A_279 = tpu.dynamic_gather %parallel_loop3A_259[%parallel_loop3A_278] in [0] : vector<16xf32>, vector<16xi32> -> vector<16xf32>
        %parallel_loop3A_280 = arith.constant 0 : i32
        %parallel_loop3A_281 = arith.index_cast %parallel_loop3A_280 : i32 to index
        %parallel_loop3A_282 = arith.index_cast %parallel_loop3A_243 : i32 to index
        %parallel_loop3A_283 = arith.constant 16 : index
        %parallel_loop3A_284 = tpu.vector_load %arg7[%parallel_loop3A_281, %parallel_loop3A_282, %parallel_loop3A_283] {strides = array<i32>} : memref<2x120x144xf32, #tpu.memory_space<vmem>>, vector<16xf32>,
        %parallel_loop3A_285 = arith.mulf %parallel_loop3A_284, %parallel_loop3A_279 : vector<16xf32>
        %parallel_loop3A_286 = arith.constant 0 : i32
        %parallel_loop3A_287 = arith.index_cast %parallel_loop3A_286 : i32 to index
        %parallel_loop3A_288 = arith.index_cast %parallel_loop3A_243 : i32 to index
        %parallel_loop3A_289 = arith.constant 16 : index
        %parallel_loop3A_290 = tpu.vector_load %arg7[%parallel_loop3A_287, %parallel_loop3A_288, %parallel_loop3A_289] {strides = array<i32>} : memref<2x120x144xf32, #tpu.memory_space<vmem>>, vector<16xf32>,
        tpu.vector_store %arg7[%parallel_loop3A_287, %parallel_loop3A_288, %parallel_loop3A_289], %parallel_loop3A_285 {strides = array<i32>} : memref<2x120x144xf32, #tpu.memory_space<vmem>>, vector<16xf32>,
        %parallel_loop3A_291 = vector.shape_cast %broadcast_in_dim3A_41 : vector<16x1xi32> to vector<16xi32>
        %parallel_loop3A_292 = tpu.dynamic_gather %parallel_loop3A_259[%parallel_loop3A_291] in [0] : vector<16xf32>, vector<16xi32> -> vector<16xf32>
        %parallel_loop3A_293 = arith.constant 0 : i32
        %parallel_loop3A_294 = arith.index_cast %parallel_loop3A_293 : i32 to index
        %parallel_loop3A_295 = arith.index_cast %parallel_loop3A_243 : i32 to index
        %parallel_loop3A_296 = arith.constant 32 : index
        %parallel_loop3A_297 = tpu.vector_load %arg7[%parallel_loop3A_294, %parallel_loop3A_295, %parallel_loop3A_296] {strides = array<i32>} : memref<2x120x144xf32, #tpu.memory_space<vmem>>, vector<16xf32>,
        %parallel_loop3A_298 = arith.mulf %parallel_loop3A_297, %parallel_loop3A_292 : vector<16xf32>
        %parallel_loop3A_299 = arith.constant 0 : i32
        %parallel_loop3A_300 = arith.index_cast %parallel_loop3A_299 : i32 to index
        %parallel_loop3A_301 = arith.index_cast %parallel_loop3A_243 : i32 to index
        %parallel_loop3A_302 = arith.constant 32 : index
        %parallel_loop3A_303 = tpu.vector_load %arg7[%parallel_loop3A_300, %parallel_loop3A_301, %parallel_loop3A_302] {strides = array<i32>} : memref<2x120x144xf32, #tpu.memory_space<vmem>>, vector<16xf32>,
        tpu.vector_store %arg7[%parallel_loop3A_300, %parallel_loop3A_301, %parallel_loop3A_302], %parallel_loop3A_298 {strides = array<i32>} : memref<2x120x144xf32, #tpu.memory_space<vmem>>, vector<16xf32>,
        %parallel_loop3A_304 = vector.shape_cast %broadcast_in_dim3A_43 : vector<16x1xi32> to vector<16xi32>
        %parallel_loop3A_305 = tpu.dynamic_gather %parallel_loop3A_259[%parallel_loop3A_304] in [0] : vector<16xf32>, vector<16xi32> -> vector<16xf32>
        %parallel_loop3A_306 = arith.constant 0 : i32
        %parallel_loop3A_307 = arith.index_cast %parallel_loop3A_306 : i32 to index
        %parallel_loop3A_308 = arith.index_cast %parallel_loop3A_243 : i32 to index
        %parallel_loop3A_309 = arith.constant 48 : index
        %parallel_loop3A_310 = tpu.vector_load %arg7[%parallel_loop3A_307, %parallel_loop3A_308, %parallel_loop3A_309] {strides = array<i32>} : memref<2x120x144xf32, #tpu.memory_space<vmem>>, vector<16xf32>,
        %parallel_loop3A_311 = arith.mulf %parallel_loop3A_310, %parallel_loop3A_305 : vector<16xf32>
        %parallel_loop3A_312 = arith.constant 0 : i32
        %parallel_loop3A_313 = arith.index_cast %parallel_loop3A_312 : i32 to index
        %parallel_loop3A_314 = arith.index_cast %parallel_loop3A_243 : i32 to index
        %parallel_loop3A_315 = arith.constant 48 : index
        %parallel_loop3A_316 = tpu.vector_load %arg7[%parallel_loop3A_313, %parallel_loop3A_314, %parallel_loop3A_315] {strides = array<i32>} : memref<2x120x144xf32, #tpu.memory_space<vmem>>, vector<16xf32>,
        tpu.vector_store %arg7[%parallel_loop3A_313, %parallel_loop3A_314, %parallel_loop3A_315], %parallel_loop3A_311 {strides = array<i32>} : memref<2x120x144xf32, #tpu.memory_space<vmem>>, vector<16xf32>,
        %parallel_loop3A_317 = vector.shape_cast %broadcast_in_dim3A_45 : vector<16x1xi32> to vector<16xi32>
        %parallel_loop3A_318 = tpu.dynamic_gather %parallel_loop3A_259[%parallel_loop3A_317] in [0] : vector<16xf32>, vector<16xi32> -> vector<16xf32>
        %parallel_loop3A_319 = arith.constant 0 : i32
        %parallel_loop3A_320 = arith.index_cast %parallel_loop3A_319 : i32 to index
        %parallel_loop3A_321 = arith.index_cast %parallel_loop3A_243 : i32 to index
        %parallel_loop3A_322 = arith.constant 64 : index
        %parallel_loop3A_323 = tpu.vector_load %arg7[%parallel_loop3A_320, %parallel_loop3A_321, %parallel_loop3A_322] {strides = array<i32>} : memref<2x120x144xf32, #tpu.memory_space<vmem>>, vector<16xf32>,
        %parallel_loop3A_324 = arith.mulf %parallel_loop3A_323, %parallel_loop3A_318 : vector<16xf32>
        %parallel_loop3A_325 = arith.constant 0 : i32
        %parallel_loop3A_326 = arith.index_cast %parallel_loop3A_325 : i32 to index
        %parallel_loop3A_327 = arith.index_cast %parallel_loop3A_243 : i32 to index
        %parallel_loop3A_328 = arith.constant 64 : index
        %parallel_loop3A_329 = tpu.vector_load %arg7[%parallel_loop3A_326, %parallel_loop3A_327, %parallel_loop3A_328] {strides = array<i32>} : memref<2x120x144xf32, #tpu.memory_space<vmem>>, vector<16xf32>,
        tpu.vector_store %arg7[%parallel_loop3A_326, %parallel_loop3A_327, %parallel_loop3A_328], %parallel_loop3A_324 {strides = array<i32>} : memref<2x120x144xf32, #tpu.memory_space<vmem>>, vector<16xf32>,
        %parallel_loop3A_330 = vector.shape_cast %broadcast_in_dim3A_47 : vector<16x1xi32> to vector<16xi32>
        %parallel_loop3A_331 = tpu.dynamic_gather %parallel_loop3A_259[%parallel_loop3A_330] in [0] : vector<16xf32>, vector<16xi32> -> vector<16xf32>
        %parallel_loop3A_332 = arith.constant 0 : i32
        %parallel_loop3A_333 = arith.index_cast %parallel_loop3A_332 : i32 to index
        %parallel_loop3A_334 = arith.index_cast %parallel_loop3A_243 : i32 to index
        %parallel_loop3A_335 = arith.constant 80 : index
        %parallel_loop3A_336 = tpu.vector_load %arg7[%parallel_loop3A_333, %parallel_loop3A_334, %parallel_loop3A_335] {strides = array<i32>} : memref<2x120x144xf32, #tpu.memory_space<vmem>>, vector<16xf32>,
        %parallel_loop3A_337 = arith.mulf %parallel_loop3A_336, %parallel_loop3A_331 : vector<16xf32>
        %parallel_loop3A_338 = arith.constant 0 : i32
        %parallel_loop3A_339 = arith.index_cast %parallel_loop3A_338 : i32 to index
        %parallel_loop3A_340 = arith.index_cast %parallel_loop3A_243 : i32 to index
        %parallel_loop3A_341 = arith.constant 80 : index
        %parallel_loop3A_342 = tpu.vector_load %arg7[%parallel_loop3A_339, %parallel_loop3A_340, %parallel_loop3A_341] {strides = array<i32>} : memref<2x120x144xf32, #tpu.memory_space<vmem>>, vector<16xf32>,
        tpu.vector_store %arg7[%parallel_loop3A_339, %parallel_loop3A_340, %parallel_loop3A_341], %parallel_loop3A_337 {strides = array<i32>} : memref<2x120x144xf32, #tpu.memory_space<vmem>>, vector<16xf32>,
        %parallel_loop3A_343 = vector.shape_cast %broadcast_in_dim3A_49 : vector<16x1xi32> to vector<16xi32>
        %parallel_loop3A_344 = tpu.dynamic_gather %parallel_loop3A_259[%parallel_loop3A_343] in [0] : vector<16xf32>, vector<16xi32> -> vector<16xf32>
        %parallel_loop3A_345 = arith.constant 0 : i32
        %parallel_loop3A_346 = arith.index_cast %parallel_loop3A_345 : i32 to index
        %parallel_loop3A_347 = arith.index_cast %parallel_loop3A_243 : i32 to index
        %parallel_loop3A_348 = arith.constant 96 : index
        %parallel_loop3A_349 = tpu.vector_load %arg7[%parallel_loop3A_346, %parallel_loop3A_347, %parallel_loop3A_348] {strides = array<i32>} : memref<2x120x144xf32, #tpu.memory_space<vmem>>, vector<16xf32>,
        %parallel_loop3A_350 = arith.mulf %parallel_loop3A_349, %parallel_loop3A_344 : vector<16xf32>
        %parallel_loop3A_351 = arith.constant 0 : i32
        %parallel_loop3A_352 = arith.index_cast %parallel_loop3A_351 : i32 to index
        %parallel_loop3A_353 = arith.index_cast %parallel_loop3A_243 : i32 to index
        %parallel_loop3A_354 = arith.constant 96 : index
        %parallel_loop3A_355 = tpu.vector_load %arg7[%parallel_loop3A_352, %parallel_loop3A_353, %parallel_loop3A_354] {strides = array<i32>} : memref<2x120x144xf32, #tpu.memory_space<vmem>>, vector<16xf32>,
        tpu.vector_store %arg7[%parallel_loop3A_352, %parallel_loop3A_353, %parallel_loop3A_354], %parallel_loop3A_350 {strides = array<i32>} : memref<2x120x144xf32, #tpu.memory_space<vmem>>, vector<16xf32>,
        %parallel_loop3A_356 = vector.shape_cast %broadcast_in_dim3A_51 : vector<16x1xi32> to vector<16xi32>
        %parallel_loop3A_357 = tpu.dynamic_gather %parallel_loop3A_259[%parallel_loop3A_356] in [0] : vector<16xf32>, vector<16xi32> -> vector<16xf32>
        %parallel_loop3A_358 = arith.constant 0 : i32
        %parallel_loop3A_359 = arith.index_cast %parallel_loop3A_358 : i32 to index
        %parallel_loop3A_360 = arith.index_cast %parallel_loop3A_243 : i32 to index
        %parallel_loop3A_361 = arith.constant 112 : index
        %parallel_loop3A_362 = tpu.vector_load %arg7[%parallel_loop3A_359, %parallel_loop3A_360, %parallel_loop3A_361] {strides = array<i32>} : memref<2x120x144xf32, #tpu.memory_space<vmem>>, vector<16xf32>,
        %parallel_loop3A_363 = arith.mulf %parallel_loop3A_362, %parallel_loop3A_357 : vector<16xf32>
        %parallel_loop3A_364 = arith.constant 0 : i32
        %parallel_loop3A_365 = arith.index_cast %parallel_loop3A_364 : i32 to index
        %parallel_loop3A_366 = arith.index_cast %parallel_loop3A_243 : i32 to index
        %parallel_loop3A_367 = arith.constant 112 : index
        %parallel_loop3A_368 = tpu.vector_load %arg7[%parallel_loop3A_365, %parallel_loop3A_366, %parallel_loop3A_367] {strides = array<i32>} : memref<2x120x144xf32, #tpu.memory_space<vmem>>, vector<16xf32>,
        tpu.vector_store %arg7[%parallel_loop3A_365, %parallel_loop3A_366, %parallel_loop3A_367], %parallel_loop3A_363 {strides = array<i32>} : memref<2x120x144xf32, #tpu.memory_space<vmem>>, vector<16xf32>,
      } {sc.loop_unroll_factor = 4 : i64, sc.parallel_access}
      %run_scoped3A_183 = arith.constant 0 : i32
      %run_scoped3A_184 = arith.constant 0 : i32
      %run_scoped3A_185 = arith.constant 1 : i32
      "tpu.region"() ({
        %run_scoped3A_243 = tpu.sem_alloc : memref<!tpu.dma_semaphore, #tpu.memory_space<semaphore_mem>>
        %dma_start3A_244 = arith.constant 0 : i32
        %dma_start3A_245 = arith.constant 0 : i32
        %dma_start3A_246 = tpu.memref_slice %arg7[%run_scoped3A_183, %dma_start3A_244, %dma_start3A_245] : memref<2x120x144xf32, #tpu.memory_space<vmem>> -> memref<1x120x144xf32, #tpu.memory_space<vmem>>
        %dma_start3A_247 = tpu.memref_squeeze %dma_start3A_246 : memref<1x120x144xf32, #tpu.memory_space<vmem>> -> memref<120x144xf32, #tpu.memory_space<vmem>>
        %dma_start3A_248 = arith.constant 0 : i32
        %dma_start3A_249 = tpu.memref_slice %arg6[%run_scoped3A_184, %run_scoped3A_185, %dma_start3A_248] : memref<2x2x120xi32, #tpu.memory_space<vmem>> -> memref<1x1x120xi32, #tpu.memory_space<vmem>>
        %dma_start3A_250 = tpu.memref_squeeze %dma_start3A_249 : memref<1x1x120xi32, #tpu.memory_space<vmem>> -> memref<120xi32, #tpu.memory_space<vmem>>
        %dma_start3A_251 = arith.constant 0 : i32
        %dma_start3A_252 = arith.constant 0 : i32
        %dma_start3A_253 = tpu.memref_slice %arg9[%dma_start3A_251, %dma_start3A_252] : memref<10016x144xf32, #tpu.memory_space<vmem_shared>> -> memref<10016x144xf32, #tpu.memory_space<vmem_shared>>
        tpu.enqueue_indirect_dma source(%dma_start3A_247 : memref<120x144xf32, #tpu.memory_space<vmem>>) target(%dma_start3A_253 : memref<10016x144xf32, #tpu.memory_space<vmem_shared>>) offsets(%dma_start3A_250 : memref<120xi32, #tpu.memory_space<vmem>>) semaphore(%run_scoped3A_243 : memref<!tpu.dma_semaphore, #tpu.memory_space<semaphore_mem>>) {add = true}
        %dma_wait3A_254 = arith.constant 0 : i32
        %dma_wait3A_255 = arith.constant 0 : i32
        %dma_wait3A_256 = tpu.memref_slice %arg7[%run_scoped3A_183, %dma_wait3A_254, %dma_wait3A_255] : memref<2x120x144xf32, #tpu.memory_space<vmem>> -> memref<1x120x144xf32, #tpu.memory_space<vmem>>
        %dma_wait3A_257 = tpu.memref_squeeze %dma_wait3A_256 : memref<1x120x144xf32, #tpu.memory_space<vmem>> -> memref<120x144xf32, #tpu.memory_space<vmem>>
        %dma_wait3A_258 = arith.constant 0 : i32
        %dma_wait3A_259 = tpu.memref_slice %arg6[%run_scoped3A_184, %run_scoped3A_185, %dma_wait3A_258] : memref<2x2x120xi32, #tpu.memory_space<vmem>> -> memref<1x1x120xi32, #tpu.memory_space<vmem>>
        %dma_wait3A_260 = tpu.memref_squeeze %dma_wait3A_259 : memref<1x1x120xi32, #tpu.memory_space<vmem>> -> memref<120xi32, #tpu.memory_space<vmem>>
        %dma_wait3A_261 = arith.constant 0 : i32
        %dma_wait3A_262 = arith.constant 0 : i32
        %dma_wait3A_263 = tpu.memref_slice %arg9[%dma_wait3A_261, %dma_wait3A_262] : memref<10016x144xf32, #tpu.memory_space<vmem_shared>> -> memref<10016x144xf32, #tpu.memory_space<vmem_shared>>
        tpu.wait_indirect_dma semaphore(%run_scoped3A_243 : memref<!tpu.dma_semaphore, #tpu.memory_space<semaphore_mem>>) src(%dma_wait3A_257 : memref<120x144xf32, #tpu.memory_space<vmem>>) dst(%dma_wait3A_263 : memref<10016x144xf32, #tpu.memory_space<vmem_shared>>)
        tpu.yield
      }) : () -> ()
      %add3A_186 = arith.constant 2 : i32
      %add3A_187 = arith.addi %add3A_150, %add3A_186 : i32
      %lt3A_188 = arith.constant 84 : i32
      %lt3A_189 = arith.cmpi slt, %add3A_187, %lt3A_188 : i32
      %convert_element_type3A_190 = arith.extui %lt3A_189 : i1 to i32
      %cond3A_191 = arith.constant 0 : i32
      %cond3A_192 = arith.cmpi ne, %convert_element_type3A_190, %cond3A_191 : i32
      scf.if %cond3A_192 {
        %add3A_243 = arith.constant 2 : i32
        %add3A_244 = arith.addi %add3A_150, %add3A_243 : i32
        %mul3A_245 = arith.constant 84 : i32
        %mul3A_246 = arith.muli %add3A, %mul3A_245 : i32
        %add3A_247 = arith.addi %mul3A_246, %add3A_244 : i32
        %dma_start3A_248 = arith.constant 0 : i32
        %dma_start3A_249 = arith.constant 0 : i32
        %dma_start3A_250 = arith.constant 0 : i32
        %dma_start3A_251 = tpu.memref_slice %arg6[%dma_start3A_248, %dma_start3A_249, %dma_start3A_250] : memref<2x2x120xi32, #tpu.memory_space<vmem>> -> memref<1x2x120xi32, #tpu.memory_space<vmem>>
        %dma_start3A_252 = tpu.memref_squeeze %dma_start3A_251 : memref<1x2x120xi32, #tpu.memory_space<vmem>> -> memref<2x120xi32, #tpu.memory_space<vmem>>
        %dma_start3A_253 = arith.constant 0 : i32
        %dma_start3A_254 = arith.constant 0 : i32
        %dma_start3A_255 = tpu.memref_slice %arg4[%add3A_247, %dma_start3A_253, %dma_start3A_254] : memref<2688x2x120xi32, #tpu.memory_space<hbm>> -> memref<1x2x120xi32, #tpu.memory_space<hbm>>
        %dma_start3A_256 = tpu.memref_squeeze %dma_start3A_255 : memref<1x2x120xi32, #tpu.memory_space<hbm>> -> memref<2x120xi32, #tpu.memory_space<hbm>>
        %dma_start3A_257 = arith.constant 0 : i32
        %dma_start3A_258 = arith.constant 0 : i32
        %dma_start3A_259 = tpu.memref_slice %arg6[%dma_start3A_248, %dma_start3A_257, %dma_start3A_258] : memref<2x2x120xi32, #tpu.memory_space<vmem>> -> memref<1x2x120xi32, #tpu.memory_space<vmem>>
        %dma_start3A_260 = tpu.memref_squeeze %dma_start3A_259 : memref<1x2x120xi32, #tpu.memory_space<vmem>> -> memref<2x120xi32, #tpu.memory_space<vmem>>
        %dma_start3A_261 = arith.constant 0 : i32
        %dma_start3A_262 = arith.constant 0 : i32
        %dma_start3A_263 = tpu.memref_slice %arg4[%add3A_247, %dma_start3A_261, %dma_start3A_262] : memref<2688x2x120xi32, #tpu.memory_space<hbm>> -> memref<1x2x120xi32, #tpu.memory_space<hbm>>
        %dma_start3A_264 = tpu.memref_squeeze %dma_start3A_263 : memref<1x2x120xi32, #tpu.memory_space<hbm>> -> memref<2x120xi32, #tpu.memory_space<hbm>>
        tpu.enqueue_dma source(%dma_start3A_264 : memref<2x120xi32, #tpu.memory_space<hbm>>) target(%dma_start3A_260 : memref<2x120xi32, #tpu.memory_space<vmem>>) target_semaphore(%arg10 : memref<!tpu.dma_semaphore, #tpu.memory_space<semaphore_mem>>)
      } else {
      }
      %mul3A_193 = arith.constant 2 : i32
      %mul3A_194 = arith.muli %mul3A_193, %scan3A_146 : i32
      %add3A_195 = arith.constant 1 : i32
      %add3A_196 = arith.addi %mul3A_194, %add3A_195 : i32
      %add3A_197 = arith.constant 1 : i32
      %add3A_198 = arith.addi %add3A_196, %add3A_197 : i32
      %lt3A_199 = arith.constant 84 : i32
      %lt3A_200 = arith.cmpi slt, %add3A_198, %lt3A_199 : i32
      %convert_element_type3A_201 = arith.extui %lt3A_200 : i1 to i32
      %cond3A_202 = arith.constant 0 : i32
      %cond3A_203 = arith.cmpi ne, %convert_element_type3A_201, %cond3A_202 : i32
      scf.if %cond3A_203 {
        %add3A_243 = arith.constant 1 : i32
        %add3A_244 = arith.addi %add3A_196, %add3A_243 : i32
        %mul3A_245 = arith.constant 84 : i32
        %mul3A_246 = arith.muli %add3A, %mul3A_245 : i32
        %add3A_247 = arith.addi %mul3A_246, %add3A_244 : i32
        %dma_wait3A_248 = arith.constant 0 : i32
        %dma_wait3A_249 = arith.constant 0 : i32
        %dma_wait3A_250 = arith.constant 0 : i32
        %dma_wait3A_251 = tpu.memref_slice %arg6[%dma_wait3A_248, %dma_wait3A_249, %dma_wait3A_250] : memref<2x2x120xi32, #tpu.memory_space<vmem>> -> memref<1x2x120xi32, #tpu.memory_space<vmem>>
        %dma_wait3A_252 = tpu.memref_squeeze %dma_wait3A_251 : memref<1x2x120xi32, #tpu.memory_space<vmem>> -> memref<2x120xi32, #tpu.memory_space<vmem>>
        %dma_wait3A_253 = arith.constant 0 : i32
        %dma_wait3A_254 = arith.constant 0 : i32
        %dma_wait3A_255 = tpu.memref_slice %arg4[%add3A_247, %dma_wait3A_253, %dma_wait3A_254] : memref<2688x2x120xi32, #tpu.memory_space<hbm>> -> memref<1x2x120xi32, #tpu.memory_space<hbm>>
        %dma_wait3A_256 = tpu.memref_squeeze %dma_wait3A_255 : memref<1x2x120xi32, #tpu.memory_space<hbm>> -> memref<2x120xi32, #tpu.memory_space<hbm>>
        %dma_wait3A_257 = arith.constant 0 : i32
        %dma_wait3A_258 = arith.constant 0 : i32
        %dma_wait3A_259 = tpu.memref_slice %arg6[%dma_wait3A_248, %dma_wait3A_257, %dma_wait3A_258] : memref<2x2x120xi32, #tpu.memory_space<vmem>> -> memref<1x2x120xi32, #tpu.memory_space<vmem>>
        %dma_wait3A_260 = tpu.memref_squeeze %dma_wait3A_259 : memref<1x2x120xi32, #tpu.memory_space<vmem>> -> memref<2x120xi32, #tpu.memory_space<vmem>>
        %dma_wait3A_261 = arith.constant 0 : i32
        %dma_wait3A_262 = arith.constant 0 : i32
        %dma_wait3A_263 = tpu.memref_slice %arg4[%add3A_247, %dma_wait3A_261, %dma_wait3A_262] : memref<2688x2x120xi32, #tpu.memory_space<hbm>> -> memref<1x2x120xi32, #tpu.memory_space<hbm>>
        %dma_wait3A_264 = tpu.memref_squeeze %dma_wait3A_263 : memref<1x2x120xi32, #tpu.memory_space<hbm>> -> memref<2x120xi32, #tpu.memory_space<hbm>>
        tpu.wait_dma2 semaphore(%arg10 : memref<!tpu.dma_semaphore, #tpu.memory_space<semaphore_mem>>) src(%dma_wait3A_264 : memref<2x120xi32, #tpu.memory_space<hbm>>) dst(%dma_wait3A_260 : memref<2x120xi32, #tpu.memory_space<vmem>>)
        %dma_start3A_265 = arith.constant 0 : i32
        %dma_start3A_266 = arith.constant 0 : i32
        %dma_start3A_267 = arith.constant 0 : i32
        %dma_start3A_268 = arith.constant 0 : i32
        %dma_start3A_269 = arith.constant 0 : i32
        %dma_start3A_270 = tpu.memref_slice %arg7[%dma_start3A_267, %dma_start3A_268, %dma_start3A_269] : memref<2x120x144xf32, #tpu.memory_space<vmem>> -> memref<1x120x144xf32, #tpu.memory_space<vmem>>
        %dma_start3A_271 = tpu.memref_squeeze %dma_start3A_270 : memref<1x120x144xf32, #tpu.memory_space<vmem>> -> memref<120x144xf32, #tpu.memory_space<vmem>>
        %dma_start3A_272 = arith.constant 0 : i32
        %dma_start3A_273 = tpu.memref_slice %arg6[%dma_start3A_265, %dma_start3A_266, %dma_start3A_272] : memref<2x2x120xi32, #tpu.memory_space<vmem>> -> memref<1x1x120xi32, #tpu.memory_space<vmem>>
        %dma_start3A_274 = tpu.memref_squeeze %dma_start3A_273 : memref<1x1x120xi32, #tpu.memory_space<vmem>> -> memref<120xi32, #tpu.memory_space<vmem>>
        %dma_start3A_275 = arith.constant 0 : i32
        %dma_start3A_276 = arith.constant 0 : i32
        %dma_start3A_277 = tpu.memref_slice %arg2[%dma_start3A_275, %dma_start3A_276] : memref<10000x144xf32, #tpu.memory_space<hbm>> -> memref<10000x144xf32, #tpu.memory_space<hbm>>
        tpu.enqueue_indirect_dma source(%dma_start3A_277 : memref<10000x144xf32, #tpu.memory_space<hbm>>) target(%dma_start3A_271 : memref<120x144xf32, #tpu.memory_space<vmem>>) offsets(%dma_start3A_274 : memref<120xi32, #tpu.memory_space<vmem>>) semaphore(%arg12 : memref<!tpu.dma_semaphore, #tpu.memory_space<semaphore_mem>>)
        %dma_start3A_278 = arith.constant 0 : i32
        %dma_start3A_279 = arith.constant 1 : i32
        %dma_start3A_280 = arith.constant 0 : i32
        %dma_start3A_281 = arith.constant 0 : i32
        %dma_start3A_282 = arith.constant 0 : i32
        %dma_start3A_283 = tpu.memref_slice %arg8[%dma_start3A_280, %dma_start3A_281, %dma_start3A_282] : memref<2x120x16xf32, #tpu.memory_space<vmem>> -> memref<1x120x16xf32, #tpu.memory_space<vmem>>
        %dma_start3A_284 = tpu.memref_squeeze %dma_start3A_283 : memref<1x120x16xf32, #tpu.memory_space<vmem>> -> memref<120x16xf32, #tpu.memory_space<vmem>>
        %dma_start3A_285 = arith.constant 0 : i32
        %dma_start3A_286 = tpu.memref_slice %arg6[%dma_start3A_278, %dma_start3A_279, %dma_start3A_285] : memref<2x2x120xi32, #tpu.memory_space<vmem>> -> memref<1x1x120xi32, #tpu.memory_space<vmem>>
        %dma_start3A_287 = tpu.memref_squeeze %dma_start3A_286 : memref<1x1x120xi32, #tpu.memory_space<vmem>> -> memref<120xi32, #tpu.memory_space<vmem>>
        %dma_start3A_288 = arith.constant 0 : i32
        %dma_start3A_289 = arith.constant 0 : i32
        %dma_start3A_290 = tpu.memref_slice %arg3[%dma_start3A_288, %dma_start3A_289] : memref<10000x16xf32, #tpu.memory_space<hbm>> -> memref<10000x16xf32, #tpu.memory_space<hbm>>
        tpu.enqueue_indirect_dma source(%dma_start3A_290 : memref<10000x16xf32, #tpu.memory_space<hbm>>) target(%dma_start3A_284 : memref<120x16xf32, #tpu.memory_space<vmem>>) offsets(%dma_start3A_287 : memref<120xi32, #tpu.memory_space<vmem>>) semaphore(%arg12 : memref<!tpu.dma_semaphore, #tpu.memory_space<semaphore_mem>>)
      } else {
      }
      %dma_wait3A_204 = arith.constant 1 : i32
      %dma_wait3A_205 = arith.constant 0 : i32
      %dma_wait3A_206 = arith.constant 1 : i32
      %dma_wait3A_207 = arith.constant 0 : i32
      %dma_wait3A_208 = arith.constant 0 : i32
      %dma_wait3A_209 = tpu.memref_slice %arg7[%dma_wait3A_206, %dma_wait3A_207, %dma_wait3A_208] : memref<2x120x144xf32, #tpu.memory_space<vmem>> -> memref<1x120x144xf32, #tpu.memory_space<vmem>>
      %dma_wait3A_210 = tpu.memref_squeeze %dma_wait3A_209 : memref<1x120x144xf32, #tpu.memory_space<vmem>> -> memref<120x144xf32, #tpu.memory_space<vmem>>
      %dma_wait3A_211 = arith.constant 0 : i32
      %dma_wait3A_212 = tpu.memref_slice %arg6[%dma_wait3A_204, %dma_wait3A_205, %dma_wait3A_211] : memref<2x2x120xi32, #tpu.memory_space<vmem>> -> memref<1x1x120xi32, #tpu.memory_space<vmem>>
      %dma_wait3A_213 = tpu.memref_squeeze %dma_wait3A_212 : memref<1x1x120xi32, #tpu.memory_space<vmem>> -> memref<120xi32, #tpu.memory_space<vmem>>
      %dma_wait3A_214 = arith.constant 0 : i32
      %dma_wait3A_215 = arith.constant 0 : i32
      %dma_wait3A_216 = tpu.memref_slice %arg2[%dma_wait3A_214, %dma_wait3A_215] : memref<10000x144xf32, #tpu.memory_space<hbm>> -> memref<10000x144xf32, #tpu.memory_space<hbm>>
      tpu.wait_indirect_dma semaphore(%arg13 : memref<!tpu.dma_semaphore, #tpu.memory_space<semaphore_mem>>) src(%dma_wait3A_216 : memref<10000x144xf32, #tpu.memory_space<hbm>>) dst(%dma_wait3A_210 : memref<120x144xf32, #tpu.memory_space<vmem>>)
      %dma_wait3A_217 = arith.constant 1 : i32
      %dma_wait3A_218 = arith.constant 1 : i32
      %dma_wait3A_219 = arith.constant 1 : i32
      %dma_wait3A_220 = arith.constant 0 : i32
      %dma_wait3A_221 = arith.constant 0 : i32
      %dma_wait3A_222 = tpu.memref_slice %arg8[%dma_wait3A_219, %dma_wait3A_220, %dma_wait3A_221] : memref<2x120x16xf32, #tpu.memory_space<vmem>> -> memref<1x120x16xf32, #tpu.memory_space<vmem>>
      %dma_wait3A_223 = tpu.memref_squeeze %dma_wait3A_222 : memref<1x120x16xf32, #tpu.memory_space<vmem>> -> memref<120x16xf32, #tpu.memory_space<vmem>>
      %dma_wait3A_224 = arith.constant 0 : i32
      %dma_wait3A_225 = tpu.memref_slice %arg6[%dma_wait3A_217, %dma_wait3A_218, %dma_wait3A_224] : memref<2x2x120xi32, #tpu.memory_space<vmem>> -> memref<1x1x120xi32, #tpu.memory_space<vmem>>
      %dma_wait3A_226 = tpu.memref_squeeze %dma_wait3A_225 : memref<1x1x120xi32, #tpu.memory_space<vmem>> -> memref<120xi32, #tpu.memory_space<vmem>>
      %dma_wait3A_227 = arith.constant 0 : i32
      %dma_wait3A_228 = arith.constant 0 : i32
      %dma_wait3A_229 = tpu.memref_slice %arg3[%dma_wait3A_227, %dma_wait3A_228] : memref<10000x16xf32, #tpu.memory_space<hbm>> -> memref<10000x16xf32, #tpu.memory_space<hbm>>
      tpu.wait_indirect_dma semaphore(%arg13 : memref<!tpu.dma_semaphore, #tpu.memory_space<semaphore_mem>>) src(%dma_wait3A_229 : memref<10000x16xf32, #tpu.memory_space<hbm>>) dst(%dma_wait3A_223 : memref<120x16xf32, #tpu.memory_space<vmem>>)
      %parallel_loop3A_230 = arith.constant 0 : i32
      %parallel_loop3A_231 = arith.constant 120 : i32
      %parallel_loop3A_232 = arith.constant 1 : i32
      scf.for %parallel_loop3A_243 = %parallel_loop3A_230 to %parallel_loop3A_231 step %parallel_loop3A_232  : i32 {
        %parallel_loop3A_244 = arith.constant 1 : i32
        %parallel_loop3A_245 = arith.index_cast %parallel_loop3A_244 : i32 to index
        %parallel_loop3A_246 = arith.index_cast %parallel_loop3A_243 : i32 to index
        %parallel_loop3A_247 = arith.constant 128 : index
        %parallel_loop3A_248 = tpu.vector_load %arg7[%parallel_loop3A_245, %parallel_loop3A_246, %parallel_loop3A_247] {strides = array<i32>} : memref<2x120x144xf32, #tpu.memory_space<vmem>>, vector<16xf32>,
        %parallel_loop3A_249 = arith.constant 1 : i32
        %parallel_loop3A_250 = arith.index_cast %parallel_loop3A_249 : i32 to index
        %parallel_loop3A_251 = arith.index_cast %parallel_loop3A_243 : i32 to index
        %parallel_loop3A_252 = arith.constant 0 : index
        %parallel_loop3A_253 = tpu.vector_load %arg8[%parallel_loop3A_250, %parallel_loop3A_251, %parallel_loop3A_252] {strides = array<i32>} : memref<2x120x16xf32, #tpu.memory_space<vmem>>, vector<16xf32>,
        %parallel_loop3A_254 = arith.addf %parallel_loop3A_248, %parallel_loop3A_253 : vector<16xf32>
        %parallel_loop3A_255 = arith.constant 2.000000e-01 : f32
        %parallel_loop3A_256 = vector.broadcast %parallel_loop3A_255 : f32 to vector<16xf32>
        %parallel_loop3A_257 = arith.mulf %parallel_loop3A_256, %parallel_loop3A_254 : vector<16xf32>
        %parallel_loop3A_258 = arith.maximumf %parallel_loop3A_254, %parallel_loop3A_257 : vector<16xf32>
        %parallel_loop3A_259 = math.exp %parallel_loop3A_258 : vector<16xf32>
        %parallel_loop3A_260 = arith.constant 1 : i32
        %parallel_loop3A_261 = arith.index_cast %parallel_loop3A_260 : i32 to index
        %parallel_loop3A_262 = arith.index_cast %parallel_loop3A_243 : i32 to index
        %parallel_loop3A_263 = arith.constant 128 : index
        %parallel_loop3A_264 = tpu.vector_load %arg7[%parallel_loop3A_261, %parallel_loop3A_262, %parallel_loop3A_263] {strides = array<i32>} : memref<2x120x144xf32, #tpu.memory_space<vmem>>, vector<16xf32>,
        tpu.vector_store %arg7[%parallel_loop3A_261, %parallel_loop3A_262, %parallel_loop3A_263], %parallel_loop3A_259 {strides = array<i32>} : memref<2x120x144xf32, #tpu.memory_space<vmem>>, vector<16xf32>,
        %parallel_loop3A_265 = vector.shape_cast %broadcast_in_dim3A_37 : vector<16x1xi32> to vector<16xi32>
        %parallel_loop3A_266 = tpu.dynamic_gather %parallel_loop3A_259[%parallel_loop3A_265] in [0] : vector<16xf32>, vector<16xi32> -> vector<16xf32>
        %parallel_loop3A_267 = arith.constant 1 : i32
        %parallel_loop3A_268 = arith.index_cast %parallel_loop3A_267 : i32 to index
        %parallel_loop3A_269 = arith.index_cast %parallel_loop3A_243 : i32 to index
        %parallel_loop3A_270 = arith.constant 0 : index
        %parallel_loop3A_271 = tpu.vector_load %arg7[%parallel_loop3A_268, %parallel_loop3A_269, %parallel_loop3A_270] {strides = array<i32>} : memref<2x120x144xf32, #tpu.memory_space<vmem>>, vector<16xf32>,
        %parallel_loop3A_272 = arith.mulf %parallel_loop3A_271, %parallel_loop3A_266 : vector<16xf32>
        %parallel_loop3A_273 = arith.constant 1 : i32
        %parallel_loop3A_274 = arith.index_cast %parallel_loop3A_273 : i32 to index
        %parallel_loop3A_275 = arith.index_cast %parallel_loop3A_243 : i32 to index
        %parallel_loop3A_276 = arith.constant 0 : index
        %parallel_loop3A_277 = tpu.vector_load %arg7[%parallel_loop3A_274, %parallel_loop3A_275, %parallel_loop3A_276] {strides = array<i32>} : memref<2x120x144xf32, #tpu.memory_space<vmem>>, vector<16xf32>,
        tpu.vector_store %arg7[%parallel_loop3A_274, %parallel_loop3A_275, %parallel_loop3A_276], %parallel_loop3A_272 {strides = array<i32>} : memref<2x120x144xf32, #tpu.memory_space<vmem>>, vector<16xf32>,
        %parallel_loop3A_278 = vector.shape_cast %broadcast_in_dim3A_39 : vector<16x1xi32> to vector<16xi32>
        %parallel_loop3A_279 = tpu.dynamic_gather %parallel_loop3A_259[%parallel_loop3A_278] in [0] : vector<16xf32>, vector<16xi32> -> vector<16xf32>
        %parallel_loop3A_280 = arith.constant 1 : i32
        %parallel_loop3A_281 = arith.index_cast %parallel_loop3A_280 : i32 to index
        %parallel_loop3A_282 = arith.index_cast %parallel_loop3A_243 : i32 to index
        %parallel_loop3A_283 = arith.constant 16 : index
        %parallel_loop3A_284 = tpu.vector_load %arg7[%parallel_loop3A_281, %parallel_loop3A_282, %parallel_loop3A_283] {strides = array<i32>} : memref<2x120x144xf32, #tpu.memory_space<vmem>>, vector<16xf32>,
        %parallel_loop3A_285 = arith.mulf %parallel_loop3A_284, %parallel_loop3A_279 : vector<16xf32>
        %parallel_loop3A_286 = arith.constant 1 : i32
        %parallel_loop3A_287 = arith.index_cast %parallel_loop3A_286 : i32 to index
        %parallel_loop3A_288 = arith.index_cast %parallel_loop3A_243 : i32 to index
        %parallel_loop3A_289 = arith.constant 16 : index
        %parallel_loop3A_290 = tpu.vector_load %arg7[%parallel_loop3A_287, %parallel_loop3A_288, %parallel_loop3A_289] {strides = array<i32>} : memref<2x120x144xf32, #tpu.memory_space<vmem>>, vector<16xf32>,
        tpu.vector_store %arg7[%parallel_loop3A_287, %parallel_loop3A_288, %parallel_loop3A_289], %parallel_loop3A_285 {strides = array<i32>} : memref<2x120x144xf32, #tpu.memory_space<vmem>>, vector<16xf32>,
        %parallel_loop3A_291 = vector.shape_cast %broadcast_in_dim3A_41 : vector<16x1xi32> to vector<16xi32>
        %parallel_loop3A_292 = tpu.dynamic_gather %parallel_loop3A_259[%parallel_loop3A_291] in [0] : vector<16xf32>, vector<16xi32> -> vector<16xf32>
        %parallel_loop3A_293 = arith.constant 1 : i32
        %parallel_loop3A_294 = arith.index_cast %parallel_loop3A_293 : i32 to index
        %parallel_loop3A_295 = arith.index_cast %parallel_loop3A_243 : i32 to index
        %parallel_loop3A_296 = arith.constant 32 : index
        %parallel_loop3A_297 = tpu.vector_load %arg7[%parallel_loop3A_294, %parallel_loop3A_295, %parallel_loop3A_296] {strides = array<i32>} : memref<2x120x144xf32, #tpu.memory_space<vmem>>, vector<16xf32>,
        %parallel_loop3A_298 = arith.mulf %parallel_loop3A_297, %parallel_loop3A_292 : vector<16xf32>
        %parallel_loop3A_299 = arith.constant 1 : i32
        %parallel_loop3A_300 = arith.index_cast %parallel_loop3A_299 : i32 to index
        %parallel_loop3A_301 = arith.index_cast %parallel_loop3A_243 : i32 to index
        %parallel_loop3A_302 = arith.constant 32 : index
        %parallel_loop3A_303 = tpu.vector_load %arg7[%parallel_loop3A_300, %parallel_loop3A_301, %parallel_loop3A_302] {strides = array<i32>} : memref<2x120x144xf32, #tpu.memory_space<vmem>>, vector<16xf32>,
        tpu.vector_store %arg7[%parallel_loop3A_300, %parallel_loop3A_301, %parallel_loop3A_302], %parallel_loop3A_298 {strides = array<i32>} : memref<2x120x144xf32, #tpu.memory_space<vmem>>, vector<16xf32>,
        %parallel_loop3A_304 = vector.shape_cast %broadcast_in_dim3A_43 : vector<16x1xi32> to vector<16xi32>
        %parallel_loop3A_305 = tpu.dynamic_gather %parallel_loop3A_259[%parallel_loop3A_304] in [0] : vector<16xf32>, vector<16xi32> -> vector<16xf32>
        %parallel_loop3A_306 = arith.constant 1 : i32
        %parallel_loop3A_307 = arith.index_cast %parallel_loop3A_306 : i32 to index
        %parallel_loop3A_308 = arith.index_cast %parallel_loop3A_243 : i32 to index
        %parallel_loop3A_309 = arith.constant 48 : index
        %parallel_loop3A_310 = tpu.vector_load %arg7[%parallel_loop3A_307, %parallel_loop3A_308, %parallel_loop3A_309] {strides = array<i32>} : memref<2x120x144xf32, #tpu.memory_space<vmem>>, vector<16xf32>,
        %parallel_loop3A_311 = arith.mulf %parallel_loop3A_310, %parallel_loop3A_305 : vector<16xf32>
        %parallel_loop3A_312 = arith.constant 1 : i32
        %parallel_loop3A_313 = arith.index_cast %parallel_loop3A_312 : i32 to index
        %parallel_loop3A_314 = arith.index_cast %parallel_loop3A_243 : i32 to index
        %parallel_loop3A_315 = arith.constant 48 : index
        %parallel_loop3A_316 = tpu.vector_load %arg7[%parallel_loop3A_313, %parallel_loop3A_314, %parallel_loop3A_315] {strides = array<i32>} : memref<2x120x144xf32, #tpu.memory_space<vmem>>, vector<16xf32>,
        tpu.vector_store %arg7[%parallel_loop3A_313, %parallel_loop3A_314, %parallel_loop3A_315], %parallel_loop3A_311 {strides = array<i32>} : memref<2x120x144xf32, #tpu.memory_space<vmem>>, vector<16xf32>,
        %parallel_loop3A_317 = vector.shape_cast %broadcast_in_dim3A_45 : vector<16x1xi32> to vector<16xi32>
        %parallel_loop3A_318 = tpu.dynamic_gather %parallel_loop3A_259[%parallel_loop3A_317] in [0] : vector<16xf32>, vector<16xi32> -> vector<16xf32>
        %parallel_loop3A_319 = arith.constant 1 : i32
        %parallel_loop3A_320 = arith.index_cast %parallel_loop3A_319 : i32 to index
        %parallel_loop3A_321 = arith.index_cast %parallel_loop3A_243 : i32 to index
        %parallel_loop3A_322 = arith.constant 64 : index
        %parallel_loop3A_323 = tpu.vector_load %arg7[%parallel_loop3A_320, %parallel_loop3A_321, %parallel_loop3A_322] {strides = array<i32>} : memref<2x120x144xf32, #tpu.memory_space<vmem>>, vector<16xf32>,
        %parallel_loop3A_324 = arith.mulf %parallel_loop3A_323, %parallel_loop3A_318 : vector<16xf32>
        %parallel_loop3A_325 = arith.constant 1 : i32
        %parallel_loop3A_326 = arith.index_cast %parallel_loop3A_325 : i32 to index
        %parallel_loop3A_327 = arith.index_cast %parallel_loop3A_243 : i32 to index
        %parallel_loop3A_328 = arith.constant 64 : index
        %parallel_loop3A_329 = tpu.vector_load %arg7[%parallel_loop3A_326, %parallel_loop3A_327, %parallel_loop3A_328] {strides = array<i32>} : memref<2x120x144xf32, #tpu.memory_space<vmem>>, vector<16xf32>,
        tpu.vector_store %arg7[%parallel_loop3A_326, %parallel_loop3A_327, %parallel_loop3A_328], %parallel_loop3A_324 {strides = array<i32>} : memref<2x120x144xf32, #tpu.memory_space<vmem>>, vector<16xf32>,
        %parallel_loop3A_330 = vector.shape_cast %broadcast_in_dim3A_47 : vector<16x1xi32> to vector<16xi32>
        %parallel_loop3A_331 = tpu.dynamic_gather %parallel_loop3A_259[%parallel_loop3A_330] in [0] : vector<16xf32>, vector<16xi32> -> vector<16xf32>
        %parallel_loop3A_332 = arith.constant 1 : i32
        %parallel_loop3A_333 = arith.index_cast %parallel_loop3A_332 : i32 to index
        %parallel_loop3A_334 = arith.index_cast %parallel_loop3A_243 : i32 to index
        %parallel_loop3A_335 = arith.constant 80 : index
        %parallel_loop3A_336 = tpu.vector_load %arg7[%parallel_loop3A_333, %parallel_loop3A_334, %parallel_loop3A_335] {strides = array<i32>} : memref<2x120x144xf32, #tpu.memory_space<vmem>>, vector<16xf32>,
        %parallel_loop3A_337 = arith.mulf %parallel_loop3A_336, %parallel_loop3A_331 : vector<16xf32>
        %parallel_loop3A_338 = arith.constant 1 : i32
        %parallel_loop3A_339 = arith.index_cast %parallel_loop3A_338 : i32 to index
        %parallel_loop3A_340 = arith.index_cast %parallel_loop3A_243 : i32 to index
        %parallel_loop3A_341 = arith.constant 80 : index
        %parallel_loop3A_342 = tpu.vector_load %arg7[%parallel_loop3A_339, %parallel_loop3A_340, %parallel_loop3A_341] {strides = array<i32>} : memref<2x120x144xf32, #tpu.memory_space<vmem>>, vector<16xf32>,
        tpu.vector_store %arg7[%parallel_loop3A_339, %parallel_loop3A_340, %parallel_loop3A_341], %parallel_loop3A_337 {strides = array<i32>} : memref<2x120x144xf32, #tpu.memory_space<vmem>>, vector<16xf32>,
        %parallel_loop3A_343 = vector.shape_cast %broadcast_in_dim3A_49 : vector<16x1xi32> to vector<16xi32>
        %parallel_loop3A_344 = tpu.dynamic_gather %parallel_loop3A_259[%parallel_loop3A_343] in [0] : vector<16xf32>, vector<16xi32> -> vector<16xf32>
        %parallel_loop3A_345 = arith.constant 1 : i32
        %parallel_loop3A_346 = arith.index_cast %parallel_loop3A_345 : i32 to index
        %parallel_loop3A_347 = arith.index_cast %parallel_loop3A_243 : i32 to index
        %parallel_loop3A_348 = arith.constant 96 : index
        %parallel_loop3A_349 = tpu.vector_load %arg7[%parallel_loop3A_346, %parallel_loop3A_347, %parallel_loop3A_348] {strides = array<i32>} : memref<2x120x144xf32, #tpu.memory_space<vmem>>, vector<16xf32>,
        %parallel_loop3A_350 = arith.mulf %parallel_loop3A_349, %parallel_loop3A_344 : vector<16xf32>
        %parallel_loop3A_351 = arith.constant 1 : i32
        %parallel_loop3A_352 = arith.index_cast %parallel_loop3A_351 : i32 to index
        %parallel_loop3A_353 = arith.index_cast %parallel_loop3A_243 : i32 to index
        %parallel_loop3A_354 = arith.constant 96 : index
        %parallel_loop3A_355 = tpu.vector_load %arg7[%parallel_loop3A_352, %parallel_loop3A_353, %parallel_loop3A_354] {strides = array<i32>} : memref<2x120x144xf32, #tpu.memory_space<vmem>>, vector<16xf32>,
        tpu.vector_store %arg7[%parallel_loop3A_352, %parallel_loop3A_353, %parallel_loop3A_354], %parallel_loop3A_350 {strides = array<i32>} : memref<2x120x144xf32, #tpu.memory_space<vmem>>, vector<16xf32>,
        %parallel_loop3A_356 = vector.shape_cast %broadcast_in_dim3A_51 : vector<16x1xi32> to vector<16xi32>
        %parallel_loop3A_357 = tpu.dynamic_gather %parallel_loop3A_259[%parallel_loop3A_356] in [0] : vector<16xf32>, vector<16xi32> -> vector<16xf32>
        %parallel_loop3A_358 = arith.constant 1 : i32
        %parallel_loop3A_359 = arith.index_cast %parallel_loop3A_358 : i32 to index
        %parallel_loop3A_360 = arith.index_cast %parallel_loop3A_243 : i32 to index
        %parallel_loop3A_361 = arith.constant 112 : index
        %parallel_loop3A_362 = tpu.vector_load %arg7[%parallel_loop3A_359, %parallel_loop3A_360, %parallel_loop3A_361] {strides = array<i32>} : memref<2x120x144xf32, #tpu.memory_space<vmem>>, vector<16xf32>,
        %parallel_loop3A_363 = arith.mulf %parallel_loop3A_362, %parallel_loop3A_357 : vector<16xf32>
        %parallel_loop3A_364 = arith.constant 1 : i32
        %parallel_loop3A_365 = arith.index_cast %parallel_loop3A_364 : i32 to index
        %parallel_loop3A_366 = arith.index_cast %parallel_loop3A_243 : i32 to index
        %parallel_loop3A_367 = arith.constant 112 : index
        %parallel_loop3A_368 = tpu.vector_load %arg7[%parallel_loop3A_365, %parallel_loop3A_366, %parallel_loop3A_367] {strides = array<i32>} : memref<2x120x144xf32, #tpu.memory_space<vmem>>, vector<16xf32>,
        tpu.vector_store %arg7[%parallel_loop3A_365, %parallel_loop3A_366, %parallel_loop3A_367], %parallel_loop3A_363 {strides = array<i32>} : memref<2x120x144xf32, #tpu.memory_space<vmem>>, vector<16xf32>,
      } {sc.loop_unroll_factor = 4 : i64, sc.parallel_access}
      %run_scoped3A_233 = arith.constant 1 : i32
      %run_scoped3A_234 = arith.constant 1 : i32
      %run_scoped3A_235 = arith.constant 1 : i32
      "tpu.region"() ({
        %run_scoped3A_243 = tpu.sem_alloc : memref<!tpu.dma_semaphore, #tpu.memory_space<semaphore_mem>>
        %dma_start3A_244 = arith.constant 0 : i32
        %dma_start3A_245 = arith.constant 0 : i32
        %dma_start3A_246 = tpu.memref_slice %arg7[%run_scoped3A_233, %dma_start3A_244, %dma_start3A_245] : memref<2x120x144xf32, #tpu.memory_space<vmem>> -> memref<1x120x144xf32, #tpu.memory_space<vmem>>
        %dma_start3A_247 = tpu.memref_squeeze %dma_start3A_246 : memref<1x120x144xf32, #tpu.memory_space<vmem>> -> memref<120x144xf32, #tpu.memory_space<vmem>>
        %dma_start3A_248 = arith.constant 0 : i32
        %dma_start3A_249 = tpu.memref_slice %arg6[%run_scoped3A_234, %run_scoped3A_235, %dma_start3A_248] : memref<2x2x120xi32, #tpu.memory_space<vmem>> -> memref<1x1x120xi32, #tpu.memory_space<vmem>>
        %dma_start3A_250 = tpu.memref_squeeze %dma_start3A_249 : memref<1x1x120xi32, #tpu.memory_space<vmem>> -> memref<120xi32, #tpu.memory_space<vmem>>
        %dma_start3A_251 = arith.constant 0 : i32
        %dma_start3A_252 = arith.constant 0 : i32
        %dma_start3A_253 = tpu.memref_slice %arg9[%dma_start3A_251, %dma_start3A_252] : memref<10016x144xf32, #tpu.memory_space<vmem_shared>> -> memref<10016x144xf32, #tpu.memory_space<vmem_shared>>
        tpu.enqueue_indirect_dma source(%dma_start3A_247 : memref<120x144xf32, #tpu.memory_space<vmem>>) target(%dma_start3A_253 : memref<10016x144xf32, #tpu.memory_space<vmem_shared>>) offsets(%dma_start3A_250 : memref<120xi32, #tpu.memory_space<vmem>>) semaphore(%run_scoped3A_243 : memref<!tpu.dma_semaphore, #tpu.memory_space<semaphore_mem>>) {add = true}
        %dma_wait3A_254 = arith.constant 0 : i32
        %dma_wait3A_255 = arith.constant 0 : i32
        %dma_wait3A_256 = tpu.memref_slice %arg7[%run_scoped3A_233, %dma_wait3A_254, %dma_wait3A_255] : memref<2x120x144xf32, #tpu.memory_space<vmem>> -> memref<1x120x144xf32, #tpu.memory_space<vmem>>
        %dma_wait3A_257 = tpu.memref_squeeze %dma_wait3A_256 : memref<1x120x144xf32, #tpu.memory_space<vmem>> -> memref<120x144xf32, #tpu.memory_space<vmem>>
        %dma_wait3A_258 = arith.constant 0 : i32
        %dma_wait3A_259 = tpu.memref_slice %arg6[%run_scoped3A_234, %run_scoped3A_235, %dma_wait3A_258] : memref<2x2x120xi32, #tpu.memory_space<vmem>> -> memref<1x1x120xi32, #tpu.memory_space<vmem>>
        %dma_wait3A_260 = tpu.memref_squeeze %dma_wait3A_259 : memref<1x1x120xi32, #tpu.memory_space<vmem>> -> memref<120xi32, #tpu.memory_space<vmem>>
        %dma_wait3A_261 = arith.constant 0 : i32
        %dma_wait3A_262 = arith.constant 0 : i32
        %dma_wait3A_263 = tpu.memref_slice %arg9[%dma_wait3A_261, %dma_wait3A_262] : memref<10016x144xf32, #tpu.memory_space<vmem_shared>> -> memref<10016x144xf32, #tpu.memory_space<vmem_shared>>
        tpu.wait_indirect_dma semaphore(%run_scoped3A_243 : memref<!tpu.dma_semaphore, #tpu.memory_space<semaphore_mem>>) src(%dma_wait3A_257 : memref<120x144xf32, #tpu.memory_space<vmem>>) dst(%dma_wait3A_263 : memref<10016x144xf32, #tpu.memory_space<vmem_shared>>)
        tpu.yield
      }) : () -> ()
      %add3A_236 = arith.constant 2 : i32
      %add3A_237 = arith.addi %add3A_196, %add3A_236 : i32
      %lt3A_238 = arith.constant 84 : i32
      %lt3A_239 = arith.cmpi slt, %add3A_237, %lt3A_238 : i32
      %convert_element_type3A_240 = arith.extui %lt3A_239 : i1 to i32
      %cond3A_241 = arith.constant 0 : i32
      %cond3A_242 = arith.cmpi ne, %convert_element_type3A_240, %cond3A_241 : i32
      scf.if %cond3A_242 {
        %add3A_243 = arith.constant 2 : i32
        %add3A_244 = arith.addi %add3A_196, %add3A_243 : i32
        %mul3A_245 = arith.constant 84 : i32
        %mul3A_246 = arith.muli %add3A, %mul3A_245 : i32
        %add3A_247 = arith.addi %mul3A_246, %add3A_244 : i32
        %dma_start3A_248 = arith.constant 1 : i32
        %dma_start3A_249 = arith.constant 0 : i32
        %dma_start3A_250 = arith.constant 0 : i32
        %dma_start3A_251 = tpu.memref_slice %arg6[%dma_start3A_248, %dma_start3A_249, %dma_start3A_250] : memref<2x2x120xi32, #tpu.memory_space<vmem>> -> memref<1x2x120xi32, #tpu.memory_space<vmem>>
        %dma_start3A_252 = tpu.memref_squeeze %dma_start3A_251 : memref<1x2x120xi32, #tpu.memory_space<vmem>> -> memref<2x120xi32, #tpu.memory_space<vmem>>
        %dma_start3A_253 = arith.constant 0 : i32
        %dma_start3A_254 = arith.constant 0 : i32
        %dma_start3A_255 = tpu.memref_slice %arg4[%add3A_247, %dma_start3A_253, %dma_start3A_254] : memref<2688x2x120xi32, #tpu.memory_space<hbm>> -> memref<1x2x120xi32, #tpu.memory_space<hbm>>
        %dma_start3A_256 = tpu.memref_squeeze %dma_start3A_255 : memref<1x2x120xi32, #tpu.memory_space<hbm>> -> memref<2x120xi32, #tpu.memory_space<hbm>>
        %dma_start3A_257 = arith.constant 0 : i32
        %dma_start3A_258 = arith.constant 0 : i32
        %dma_start3A_259 = tpu.memref_slice %arg6[%dma_start3A_248, %dma_start3A_257, %dma_start3A_258] : memref<2x2x120xi32, #tpu.memory_space<vmem>> -> memref<1x2x120xi32, #tpu.memory_space<vmem>>
        %dma_start3A_260 = tpu.memref_squeeze %dma_start3A_259 : memref<1x2x120xi32, #tpu.memory_space<vmem>> -> memref<2x120xi32, #tpu.memory_space<vmem>>
        %dma_start3A_261 = arith.constant 0 : i32
        %dma_start3A_262 = arith.constant 0 : i32
        %dma_start3A_263 = tpu.memref_slice %arg4[%add3A_247, %dma_start3A_261, %dma_start3A_262] : memref<2688x2x120xi32, #tpu.memory_space<hbm>> -> memref<1x2x120xi32, #tpu.memory_space<hbm>>
        %dma_start3A_264 = tpu.memref_squeeze %dma_start3A_263 : memref<1x2x120xi32, #tpu.memory_space<hbm>> -> memref<2x120xi32, #tpu.memory_space<hbm>>
        tpu.enqueue_dma source(%dma_start3A_264 : memref<2x120xi32, #tpu.memory_space<hbm>>) target(%dma_start3A_260 : memref<2x120xi32, #tpu.memory_space<vmem>>) target_semaphore(%arg11 : memref<!tpu.dma_semaphore, #tpu.memory_space<semaphore_mem>>)
      } else {
      }
    }
    %scan3A_140 = arith.constant 42 : i32
    %barrier3A_141 = arith.constant 0 : index
    tpu.barrier barrier_id(%barrier3A_141)
    %mul3A_142 = arith.constant 626 : i32
    %mul3A_143 = arith.muli %arg1, %mul3A_142 : i32
    %mul3A_144 = arith.constant 626 : i32
    %mul3A_145 = arith.muli %arg1, %mul3A_144 : i32
    "tpu.region"() ({
      %run_scoped3A_146 = tpu.sem_alloc : memref<!tpu.dma_semaphore, #tpu.memory_space<semaphore_mem>>
      %dma_start3A_147 = arith.constant 0 : i32
      %dma_start3A_148 = tpu.memref_slice %arg5[%arg0, %mul3A_145, %dma_start3A_147] : memref<2x10016x144xf32, #tpu.memory_space<hbm>> -> memref<1x626x144xf32, #tpu.memory_space<hbm>>
      %dma_start3A_149 = tpu.memref_squeeze %dma_start3A_148 : memref<1x626x144xf32, #tpu.memory_space<hbm>> -> memref<626x144xf32, #tpu.memory_space<hbm>>
      %dma_start3A_150 = arith.constant 0 : i32
      %dma_start3A_151 = tpu.memref_slice %arg9[%mul3A_143, %dma_start3A_150] : memref<10016x144xf32, #tpu.memory_space<vmem_shared>> -> memref<626x144xf32, #tpu.memory_space<vmem_shared>>
      tpu.enqueue_dma source(%dma_start3A_151 : memref<626x144xf32, #tpu.memory_space<vmem_shared>>) target(%dma_start3A_149 : memref<626x144xf32, #tpu.memory_space<hbm>>) target_semaphore(%run_scoped3A_146 : memref<!tpu.dma_semaphore, #tpu.memory_space<semaphore_mem>>)
      %dma_wait3A_152 = arith.constant 0 : i32
      %dma_wait3A_153 = tpu.memref_slice %arg5[%arg0, %mul3A_145, %dma_wait3A_152] : memref<2x10016x144xf32, #tpu.memory_space<hbm>> -> memref<1x626x144xf32, #tpu.memory_space<hbm>>
      %dma_wait3A_154 = tpu.memref_squeeze %dma_wait3A_153 : memref<1x626x144xf32, #tpu.memory_space<hbm>> -> memref<626x144xf32, #tpu.memory_space<hbm>>
      %dma_wait3A_155 = arith.constant 0 : i32
      %dma_wait3A_156 = tpu.memref_slice %arg9[%mul3A_143, %dma_wait3A_155] : memref<10016x144xf32, #tpu.memory_space<vmem_shared>> -> memref<626x144xf32, #tpu.memory_space<vmem_shared>>
      tpu.wait_dma2 semaphore(%run_scoped3A_146 : memref<!tpu.dma_semaphore, #tpu.memory_space<semaphore_mem>>) src(%dma_wait3A_156 : memref<626x144xf32, #tpu.memory_space<vmem_shared>>) dst(%dma_wait3A_154 : memref<626x144xf32, #tpu.memory_space<hbm>>)
      tpu.yield
    }) : () -> ()
    return
  }
}

module attributes {stable_mosaic.version = 14 : i64} {
  func.func @_stage1_body(%arg0: i32, %arg1: memref<400x128xf32, #tpu.memory_space<vmem>>, %arg2: memref<128x144xf32, #tpu.memory_space<vmem>>, %arg3: memref<128x16xf32, #tpu.memory_space<vmem>>, %arg4: memref<400x144xf32, #tpu.memory_space<vmem>>, %arg5: memref<400x16xf32, #tpu.memory_space<vmem>>) attributes {dimension_semantics = [#tpu.dimension_semantics<arbitrary>], iteration_bounds = array<i64: 25>, scalar_prefetch = 0 : i64, scratch_operands = 0 : i64, tpu.core_type = #tpu.core_type<tc>, window_params = [{transform_indices = @transform_0, window_bounds = array<i64: 400, 128>}, {pipeline_mode = #tpu.pipeline_mode<synchronous>, transform_indices = @transform_1, window_bounds = array<i64: 128, 144>}, {pipeline_mode = #tpu.pipeline_mode<synchronous>, transform_indices = @transform_2, window_bounds = array<i64: 128, 16>}, {transform_indices = @transform_3, window_bounds = array<i64: 400, 144>}, {transform_indices = @transform_4, window_bounds = array<i64: 400, 16>}]} {
    %get3A = arith.constant 0 : index
    %get3A_0 = arith.constant 0 : index
    %get3A_1 = vector.load %arg1[%get3A, %get3A_0] : memref<400x128xf32, #tpu.memory_space<vmem>>, vector<400x128xf32>
    %get3A_2 = arith.constant 0 : index
    %get3A_3 = arith.constant 0 : index
    %get3A_4 = vector.load %arg2[%get3A_2, %get3A_3] : memref<128x144xf32, #tpu.memory_space<vmem>>, vector<128x144xf32>
    %dot_general3A = arith.constant dense<0.000000e+00> : vector<400x144xf32>
    %dot_general3A_5 = tpu.matmul %get3A_1, %get3A_4, %dot_general3A {dimension_numbers = #tpu.dot_dimension_numbers<[1], [0], [0], [1], [0, 0, 1, 1], [], []>, transpose_lhs_hint = false} : vector<400x128xf32>, vector<128x144xf32>, vector<400x144xf32> -> vector<400x144xf32>
    %iota3A = tpu.iota {dimensions = array<i32: 1>} : vector<400x144xi32>
    %ge3A = arith.constant 136 : i32
    %ge3A_6 = vector.broadcast %ge3A : i32 to vector<400x144xi32>
    %ge3A_7 = arith.cmpi sge, %iota3A, %ge3A_6 : vector<400x144xi32>
    %jit3A = arith.constant -1.000000e+30 : f32
    %broadcast_in_dim3A = vector.broadcast %jit3A : f32 to vector<400x144xf32>
    %select_n3A = arith.select %ge3A_7, %broadcast_in_dim3A, %dot_general3A_5 : vector<400x144xi1>, vector<400x144xf32>
    %swap3A = arith.constant 0 : index
    %swap3A_8 = arith.constant 0 : index
    %swap3A_9 = vector.load %arg4[%swap3A, %swap3A_8] : memref<400x144xf32, #tpu.memory_space<vmem>>, vector<400x144xf32>
    tpu.vector_store %arg4[%swap3A, %swap3A_8], %select_n3A {strides = array<i32>} : memref<400x144xf32, #tpu.memory_space<vmem>>, vector<400x144xf32>,
    %get3A_10 = arith.constant 0 : index
    %get3A_11 = arith.constant 0 : index
    %get3A_12 = vector.load %arg3[%get3A_10, %get3A_11] : memref<128x16xf32, #tpu.memory_space<vmem>>, vector<128x16xf32>
    %dot_general3A_13 = arith.constant dense<0.000000e+00> : vector<400x16xf32>
    %dot_general3A_14 = tpu.matmul %get3A_1, %get3A_12, %dot_general3A_13 {dimension_numbers = #tpu.dot_dimension_numbers<[1], [0], [0], [1], [0, 0, 1, 1], [], []>, transpose_lhs_hint = false} : vector<400x128xf32>, vector<128x16xf32>, vector<400x16xf32> -> vector<400x16xf32>
    %iota3A_15 = tpu.iota {dimensions = array<i32: 1>} : vector<400x16xi32>
    %ge3A_16 = arith.constant 8 : i32
    %ge3A_17 = vector.broadcast %ge3A_16 : i32 to vector<400x16xi32>
    %ge3A_18 = arith.cmpi sge, %iota3A_15, %ge3A_17 : vector<400x16xi32>
    %jit3A_19 = arith.constant -1.000000e+30 : f32
    %broadcast_in_dim3A_20 = vector.broadcast %jit3A_19 : f32 to vector<400x16xf32>
    %select_n3A_21 = arith.select %ge3A_18, %broadcast_in_dim3A_20, %dot_general3A_14 : vector<400x16xi1>, vector<400x16xf32>
    %swap3A_22 = arith.constant 0 : index
    %swap3A_23 = arith.constant 0 : index
    %swap3A_24 = vector.load %arg5[%swap3A_22, %swap3A_23] : memref<400x16xf32, #tpu.memory_space<vmem>>, vector<400x16xf32>
    tpu.vector_store %arg5[%swap3A_22, %swap3A_23], %select_n3A_21 {strides = array<i32>} : memref<400x16xf32, #tpu.memory_space<vmem>>, vector<400x16xf32>,
    return
  }
  func.func @transform_0(%arg0: i32) -> (i32, i32) {
    %c0_i32 = arith.constant 0 : i32
    %c0_i32_0 = arith.constant 0 : i32
    return %arg0, %c0_i32 : i32, i32
  }
  func.func @transform_1(%arg0: i32) -> (i32, i32) {
    %c0_i32 = arith.constant 0 : i32
    %c0_i32_0 = arith.constant 0 : i32
    %c0_i32_1 = arith.constant 0 : i32
    return %c0_i32, %c0_i32_0 : i32, i32
  }
  func.func @transform_2(%arg0: i32) -> (i32, i32) {
    %c0_i32 = arith.constant 0 : i32
    %c0_i32_0 = arith.constant 0 : i32
    %c0_i32_1 = arith.constant 0 : i32
    return %c0_i32, %c0_i32_0 : i32, i32
  }
  func.func @transform_3(%arg0: i32) -> (i32, i32) {
    %c0_i32 = arith.constant 0 : i32
    %c0_i32_0 = arith.constant 0 : i32
    return %arg0, %c0_i32 : i32, i32
  }
  func.func @transform_4(%arg0: i32) -> (i32, i32) {
    %c0_i32 = arith.constant 0 : i32
    %c0_i32_0 = arith.constant 0 : i32
    return %arg0, %c0_i32 : i32, i32
  }
}

module attributes {stable_mosaic.version = 14 : i64} {
  func.func @_stage2_body(%arg0: i32, %arg1: memref<1x400x144xf32, #tpu.memory_space<vmem>>, %arg2: memref<1x400x144xf32, #tpu.memory_space<vmem>>, %arg3: memref<8x128xf32, #tpu.memory_space<vmem>>, %arg4: memref<1x128xf32, #tpu.memory_space<vmem>>, %arg5: memref<400x128xf32, #tpu.memory_space<vmem>>) attributes {dimension_semantics = [#tpu.dimension_semantics<arbitrary>], iteration_bounds = array<i64: 25>, scalar_prefetch = 0 : i64, scratch_operands = 0 : i64, tpu.core_type = #tpu.core_type<tc>, window_params = [{transform_indices = @transform_0, window_bounds = array<i64: 1, 400, 144>}, {transform_indices = @transform_1, window_bounds = array<i64: 1, 400, 144>}, {pipeline_mode = #tpu.pipeline_mode<synchronous>, transform_indices = @transform_2, window_bounds = array<i64: 8, 128>}, {pipeline_mode = #tpu.pipeline_mode<synchronous>, transform_indices = @transform_3, window_bounds = array<i64: 1, 128>}, {transform_indices = @transform_4, window_bounds = array<i64: 400, 128>}]} {
    %get3A = arith.constant 0 : index
    %get3A_0 = arith.constant 0 : index
    %get3A_1 = arith.constant 0 : index
    %get3A_2 = vector.load %arg1[%get3A, %get3A_0, %get3A_1] : memref<1x400x144xf32, #tpu.memory_space<vmem>>, vector<1x400x144xf32>
    %get3A_3 = vector.shape_cast %get3A_2 : vector<1x400x144xf32> to vector<400x144xf32>
    %get3A_4 = arith.constant 0 : index
    %get3A_5 = arith.constant 0 : index
    %get3A_6 = arith.constant 0 : index
    %get3A_7 = vector.load %arg2[%get3A_4, %get3A_5, %get3A_6] : memref<1x400x144xf32, #tpu.memory_space<vmem>>, vector<1x400x144xf32>
    %get3A_8 = vector.shape_cast %get3A_7 : vector<1x400x144xf32> to vector<400x144xf32>
    %slice3A = vector.extract_strided_slice %get3A_3 {offsets = [0, 0], sizes = [400, 128], strides = [1, 1]} : vector<400x144xf32> to vector<400x128xf32>
    %slice3A_9 = vector.extract_strided_slice %get3A_8 {offsets = [0, 0], sizes = [400, 128], strides = [1, 1]} : vector<400x144xf32> to vector<400x128xf32>
    %add3A = arith.addf %slice3A, %slice3A_9 : vector<400x128xf32>
    %slice3A_10 = vector.extract_strided_slice %get3A_3 {offsets = [0, 128], sizes = [400, 8], strides = [1, 1]} : vector<400x144xf32> to vector<400x8xf32>
    %slice3A_11 = vector.extract_strided_slice %get3A_8 {offsets = [0, 128], sizes = [400, 8], strides = [1, 1]} : vector<400x144xf32> to vector<400x8xf32>
    %add3A_12 = arith.addf %slice3A_10, %slice3A_11 : vector<400x8xf32>
    %get3A_13 = arith.constant 0 : index
    %get3A_14 = arith.constant 0 : index
    %get3A_15 = vector.load %arg3[%get3A_13, %get3A_14] : memref<8x128xf32, #tpu.memory_space<vmem>>, vector<8x128xf32>
    %dot_general3A = arith.constant dense<0.000000e+00> : vector<400x128xf32>
    %dot_general3A_16 = tpu.matmul %add3A_12, %get3A_15, %dot_general3A {dimension_numbers = #tpu.dot_dimension_numbers<[1], [0], [0], [1], [0, 0, 1, 1], [], []>, transpose_lhs_hint = false} : vector<400x8xf32>, vector<8x128xf32>, vector<400x128xf32> -> vector<400x128xf32>
    %add3A_17 = arith.constant 1.000000e-16 : f32
    %add3A_18 = vector.broadcast %add3A_17 : f32 to vector<400x128xf32>
    %add3A_19 = arith.addf %dot_general3A_16, %add3A_18 : vector<400x128xf32>
    %div3A = arith.divf %add3A, %add3A_19 : vector<400x128xf32>
    %get3A_20 = arith.constant 0 : index
    %get3A_21 = arith.constant 0 : index
    %get3A_22 = vector.load %arg4[%get3A_20, %get3A_21] : memref<1x128xf32, #tpu.memory_space<vmem>>, vector<1x128xf32>
    %add3A_23 = vector.broadcast %get3A_22 : vector<1x128xf32> to vector<400x128xf32>
    %add3A_24 = arith.addf %div3A, %add3A_23 : vector<400x128xf32>
    %swap3A = arith.constant 0 : index
    %swap3A_25 = arith.constant 0 : index
    %swap3A_26 = vector.load %arg5[%swap3A, %swap3A_25] : memref<400x128xf32, #tpu.memory_space<vmem>>, vector<400x128xf32>
    tpu.vector_store %arg5[%swap3A, %swap3A_25], %add3A_24 {strides = array<i32>} : memref<400x128xf32, #tpu.memory_space<vmem>>, vector<400x128xf32>,
    return
  }
  func.func @transform_0(%arg0: i32) -> (i32, i32, i32) {
    %c0_i32 = arith.constant 0 : i32
    %c0_i32_0 = arith.constant 0 : i32
    %c0_i32_1 = arith.constant 0 : i32
    return %c0_i32, %arg0, %c0_i32_0 : i32, i32, i32
  }
  func.func @transform_1(%arg0: i32) -> (i32, i32, i32) {
    %c1_i32 = arith.constant 1 : i32
    %c0_i32 = arith.constant 0 : i32
    %c0_i32_0 = arith.constant 0 : i32
    return %c1_i32, %arg0, %c0_i32 : i32, i32, i32
  }
  func.func @transform_2(%arg0: i32) -> (i32, i32) {
    %c0_i32 = arith.constant 0 : i32
    %c0_i32_0 = arith.constant 0 : i32
    %c0_i32_1 = arith.constant 0 : i32
    return %c0_i32, %c0_i32_0 : i32, i32
  }
  func.func @transform_3(%arg0: i32) -> (i32, i32) {
    %c0_i32 = arith.constant 0 : i32
    %c0_i32_0 = arith.constant 0 : i32
    %c0_i32_1 = arith.constant 0 : i32
    return %c0_i32, %c0_i32_0 : i32, i32
  }
  func.func @transform_4(%arg0: i32) -> (i32, i32) {
    %c0_i32 = arith.constant 0 : i32
    %c0_i32_0 = arith.constant 0 : i32
    return %arg0, %c0_i32 : i32, i32
  }
}

</mosaic_0001>

<sc_bundles>
// kernel: kernel.5.cloned.1.call-start
scs
__scs_entry_jumppad:
0x0: {  	(pc) =	sbr.rel $0x88, $3  }
0x1: {  	(tag) =	ssettag $0x0;
	lr =	simm.s32 $0x1  }
0x2: {  	[smem:$0x3F9B] =	sst lr;
	_ =	strace $0xD0000000  }
0x3: {  	_ = 	snop  }
0x4: {  	_ = 	snop  }
0x5: {  	_ = 	snop  }
0x6: {  	_ = 	snop  }
0x7: {  	_ = 	snop  }
__scs_overlays_trampoline_lowered:
0x8: {  	[smem:$0x3FAA] =	sst s0  }
0x9: {  	[smem:$0x3FAB] =	sst s1  }
0xa: {  	[smem:$0x3FAC] =	sst s2  }
0xb: {  	[smem:$0x3FAD] =	sst s3  }
0xc: {  	[smem:$0x3FAE] =	sst s4  }
0xd: {  	[smem:$0x3FAF] =	sst s5  }
0xe: {  	[smem:$0x3FB0] =	sst s6  }
0xf: {  	[smem:$0x3FB1] =	sst s7  }
0x10: {  	[smem:$0x3FB2] =	sst s8  }
0x11: {  	[smem:$0x3FB3] =	sst s9;
	s0 =	simm.s32 @!p0 $0x0  }
0x12: {  	s1 =	sld [smem:$0x3F99];
	s0 =	simm.s32 @p0 $0x1  }
0x13: {  	[smem:$0x3FB4] =	sst s0;
	s0 =	simm.s32 @!p1 $0x0  }
0x14: {  	s2 =	sld [smem:$0x3F98];
	s0 =	simm.s32 @p1 $0x1  }
0x15: {  	[smem:$0x3FB5] =	sst s0;
	s0 =	simm.s32 @!p2 $0x0  }
0x16: {  	s3 =	sld [smem:$0x3FDB];
	s0 =	simm.s32 @p2 $0x1  }
0x17: {  	s4 =	simm.s32 $0x1BF5;
	[smem:$0x3FB7] =	sst s0  }
0x18: {  	s0 =	sld [smem:$0x3F9A];
	_ =	swait.ge [sflag:s4], $0x0  }
0x19: {  	s7 =	sld [smem:$0x3F9B]  }
0x1a: {  	s8 =	sadd.s32 $0xFFFFE003, lr  }
0x1b: {  	s9 =	sadd.s32 $0xFFFFFEF7, lr;
	s5 =	simm.s32 $0xFFFFFFFF;
	p2 =	slt.u32 s8, $0xFFFFF086  }
0x1c: {  	p1 =	slt.u32 s9, $0xF7A;
	s5 =	simm.s32 @!p2 $0x0  }
0x1d: {  	s5 =	simm.s32 @p1 $0x1;
	p0 =	seq.s32 s7, s2  }
0x1e: {  	s7 =	smul.u32 @!p0 $0xF7A, s2;
	p2 =	seq.s32 @!p0 s5, $0x0  }
0x1f: {  	s9 =	smul.u32 $0xF7A, s1;
	s8 =	simm.s32 @!p0 $0x1BF5;
	p2 =	por !p2, p0  }
0x20: {  	[sflag:s8] =	ssyncset.s32 @!p0 $0xFFFFF086;
	s6 =	sadd.s32 @!p0 s3, s7;
	s7 =	simm.s32 @!p0 $0x108  }
0x21: {  	s3 =	sadd.s32 s3, s9;
	s6 =	sadd.s32 @!p0 $0x88, s6;
	s7 =	simm.s32 @p2 $0x1082  }
0x22: {  	[simem:s7], [sflag:s8] =	dma.local @!p0 [hbm:s6], $0xF7A  }
0x23: {  	s9 =	sor.u32 $0xD0000000, s2;
	s6 =	simm.s32 $0x108;
	_ =	swait.ge @!p0 [sflag:s8], $0x0  }
0x24: {  	s3 =	sadd.s32 $0x88, s3;
	s6 =	simm.s32 @!p1 $0x1082;
	[sflag:s4] =	ssyncset.s32 $0xFFFFF086  }
0x25: {  	[simem:s6], [sflag:s4] =	dma.local [hbm:s3], $0xF7A  }
0x26: {  	[smem:$0x3F9B] =	sst s1;
	(tag) =	ssettag s2;
	_ =	strace s9  }
0x27: {  	s1 =	sld [smem:$0x3FAB]  }
0x28: {  	s2 =	sld [smem:$0x3FAC]  }
0x29: {  	s4 =	sld [smem:$0x3FAE]  }
0x2a: {  	p0 =	seq.s32 s5, $0x0;
	s5 =	sld [smem:$0x3FAF]  }
0x2b: {  	s6 =	sld [smem:$0x3FB0]  }
0x2c: {  	s7 =	sld [smem:$0x3FB1]  }
0x2d: {  	s3 =	simm.s32 $0x108;
	s8 =	sld [smem:$0x3FB2]  }
0x2e: {  	s3 =	simm.s32 @!p0 $0x1082;
	s9 =	sld [smem:$0x3FB3]  }
0x2f: {  	lr =	sadd.s32 s0, s3;
	s0 =	sld [smem:$0x3FAA]  }
0x30: {  	s3 =	sld [smem:$0x3FAD]  }
0x31: {  	[smem:$0x3FB6] =	sst s10  }
0x32: {  	s10 =	sld [smem:$0x3FB4];
	_ =	sdelay $0x3  }
0x33: {  	p0 =	seq.s32 s10, $0x1;
	s10 =	sld [smem:$0x3FB6];
	_ =	sdelay $0x3  }
0x34: {  	[smem:$0x3FB6] =	sst s10  }
0x35: {  	s10 =	sld [smem:$0x3FB5];
	_ =	sdelay $0x3  }
0x36: {  	p1 =	seq.s32 s10, $0x1;
	s10 =	sld [smem:$0x3FB6];
	_ =	sdelay $0x3  }
0x37: {  	[smem:$0x3FB6] =	sst s10  }
0x38: {  	s10 =	sld [smem:$0x3FB7]  }
0x39: {  	_ = 	snop;
	(pc) =	sbr.ind lr, $3  }
0x3a: {  	_ = 	snop  }
0x3b: {  	_ = 	snop  }
0x3c: {  	p2 =	seq.s32 s10, $0x1;
	s10 =	sld [smem:$0x3FB6]  }
0x3d: {  	_ =	shalt  }
0x3e: {  	_ =	shalt  }
0x3f: {  	_ =	shalt  }
0x40: {  	_ =	shalt  }
0x41: {  	_ =	shalt  }
0x42: {  	_ =	shalt  }
0x43: {  	_ =	shalt  }
0x44: {  	_ =	shalt  }
0x45: {  	_ =	shalt  }
0x46: {  	_ =	shalt  }
0x47: {  	_ =	shalt  }
0x48: {  	_ =	shalt  }
0x49: {  	_ =	shalt  }
0x4a: {  	_ =	shalt  }
0x4b: {  	_ =	shalt  }
0x4c: {  	_ =	shalt  }
0x4d: {  	_ =	shalt  }
0x4e: {  	_ =	shalt  }
0x4f: {  	_ =	shalt  }
0x50: {  	_ =	shalt  }
0x51: {  	_ =	shalt  }
0x52: {  	_ =	shalt  }
0x53: {  	_ =	shalt  }
0x54: {  	_ =	shalt  }
0x55: {  	_ =	shalt  }
0x56: {  	_ =	shalt  }
0x57: {  	_ =	shalt  }
0x58: {  	_ =	shalt  }
0x59: {  	_ =	shalt  }
0x5a: {  	_ =	shalt  }
0x5b: {  	_ =	shalt  }
0x5c: {  	_ =	shalt  }
0x5d: {  	_ =	shalt  }
0x5e: {  	_ =	shalt  }
0x5f: {  	_ =	shalt  }
0x60: {  	_ =	shalt  }
0x61: {  	_ =	shalt  }
0x62: {  	_ =	shalt  }
0x63: {  	_ =	shalt  }
0x64: {  	_ =	shalt  }
0x65: {  	_ =	shalt  }
0x66: {  	_ =	shalt  }
0x67: {  	_ =	shalt  }
0x68: {  	_ =	shalt  }
0x69: {  	_ =	shalt  }
0x6a: {  	_ =	shalt  }
0x6b: {  	_ =	shalt  }
0x6c: {  	_ =	shalt  }
0x6d: {  	_ =	shalt  }
0x6e: {  	_ =	shalt  }
0x6f: {  	_ =	shalt  }
0x70: {  	_ =	shalt  }
0x71: {  	_ =	shalt  }
0x72: {  	_ =	shalt  }
0x73: {  	_ =	shalt  }
0x74: {  	_ =	shalt  }
0x75: {  	_ =	shalt  }
0x76: {  	_ =	shalt  }
0x77: {  	_ =	shalt  }
0x78: {  	_ =	shalt  }
0x79: {  	_ =	shalt  }
0x7a: {  	_ =	shalt  }
0x7b: {  	_ =	shalt  }
0x7c: {  	_ =	shalt  }
0x7d: {  	_ =	shalt  }
0x7e: {  	_ =	shalt  }
0x7f: {  	_ =	shalt  }
0x80: {  	_ =	shalt  }
0x81: {  	_ =	shalt  }
0x82: {  	_ =	shalt  }
0x83: {  	_ =	shalt  }
0x84: {  	_ =	shalt  }
0x85: {  	_ =	shalt  }
0x86: {  	_ =	shalt  }
0x87: {  	_ =	shalt  }
.Lfunc_end0:
.L_simem_size_0:
called_computation_lowered:
.L_overlay_start_0:
0x88: {  	s2 =	sld [smem:$0x3FD9]  }
0x89: {  	s3 =	sld [smem:$0x3FFE];
	_ =	sdelay $0x1  }
0x8a: {  	s1 =	srdreg.scid  }
0x8b: {  	s0 =	sand.u32 $0x1, s1  }
0x8c: {  	s17 =	sshll.u32 s0, $0xA;
	s2 =	sadd.s32 s3, s2  }
0x8d: {  	s2 =	sadd.s32 s2, s17  }
0x8e: {  	[smem:$0x3FC2] =	sst s2  }
0x8f: {  	_ = 	snop  }
0x90: {  	s2 =	sld [smem:$0x3FD0];
	(tm) =	ssettm $0x1  }
0x91: {  	s18 =	sld [smem:$0x3FFB];
	_ =	sdelay $0x3  }
0x92: {  	_ =	strace s18  }
0x93: {  	s3 =	sld [smem:$0x3FFC];
	_ =	sdelay $0x3  }
0x94: {  	_ =	strace s3  }
0x95: {  	s3 =	sld [smem:$0x3FFD];
	_ =	sdelay $0x3  }
0x96: {  	_ =	strace s3  }
0x97: {  	_ =	strace $0x8FFFFFFF  }
0x98: {  	s19 =	sld [smem:$0x3FDB];
	_ =	sdelay $0x1  }
0x99: {  	s4 =	simm.s32 $_scs_section_size  }
0x9a: {  	s5 =	simm.s32 $_size__tile_overlayer_lowered;
	s6 =	simm.s32 $_tile_overlayer_lowered  }
0x9b: {  	s22 =	simm.s32 $0x1BFF;
	s21 =	sshll.u32 s6, $0x1;
	s3 =	sadd.s32 s4, s19  }
0x9c: {  	s7 =	simm.s32 $0x0;
	s20 =	sshll.u32 s5, $0x1;
	s5 =	sadd.s32 s21, s3  }
0x9d: {  	[timem:s7], [sflag:s22] =	dma.local [hbm:s5], s20  }
0x9e: {  	_ =	swait.ge [sflag:s22], s20  }
0x9f: {  	s4 =	ssub.s32 $0x0, s20;
	[sflag:s22] =	ssyncset.done $0x0  }
0xa0: {  	[sflag:s22] =	ssyncadd.s32 s4;
	_ =	sdelay $0x1  }
0xa1: {  	s23 =	simm.s32 $0x1B8B  }
0xa2: {  	_ =	swait.ge [sflag:s23], $0x1  }
0xa3: {  	[sflag:s23] =	ssyncset.done $0x0  }
0xa4: {  	s25 =	simm.s32 $0x1B8E;
	s24 =	sld [smem:$0x3FFE];
	[sflag:s23] =	ssyncadd.s32 $0xFFFFFFFF  }
0xa5: {  	s26 =	simm.s32 $execute0_lowered;
	[smem:$0x3FD2] =	sst s25  }
0xa6: {  	s5 =	sshll.u32 s26, $0x1;
	_ =	strace $0x80000046;
	[dreg:$0x1] =	wrdreg $0xFFFFFFFF  }
0xa7: {  	s28 =	simm.s32 $_size_execute0_lowered;
	s3 =	sadd.s32 s3, s5;
	[dreg:$0x0] =	wrdreg $0x0  }
0xa8: {  	s5 =	sshll.u32 s28, $0x1;
	[dreg:$0x2] =	wrdreg s3  }
0xa9: {  	[dreg:$0x3] =	wrdreg s5  }
0xaa: {  	[dreg:$0x4] =	wrdreg $0xC0  }
0xab: {  	_ =	task [dreg:s7], $0x5FFFF  }
0xac: {  	[dreg:$0x1] =	wrdreg $0xFFFFFFFF  }
0xad: {  	[dreg:$0x0] =	wrdreg $0x60  }
0xae: {  	[dreg:$0x2] =	wrdreg s24  }
0xaf: {  	[dreg:$0x3] =	wrdreg s2  }
0xb0: {  	[dreg:$0x4] =	wrdreg $0x97E00  }
0xb1: {  	[dreg:$0x5] =	wrdreg $0x9  }
0xb2: {  	_ =	task.clear_ibuf [dreg:s7], $0x6FFFF;
	_ =	strace $0x90000046  }
0xb3: {  	s29 =	simm.s32 $0x9;
	_ =	strace $0x80000048  }
0xb4: {  	_ =	swait.ge [sflag:s29], $0x1  }
0xb5: {  	[sflag:s29] =	ssyncadd.s32 $0xFFFFFFFF  }
0xb6: {  	_ =	strace $0x90000048  }
0xb7: {  	_ =	sfence  }
0xb8: {  	s30 =	sld [smem:$0x0];
	_ =	sdelay $0x2  }
0xb9: {  	s31 =	sshll.u32 s1, $0xD;
	s1 =	sshrl.u32 s1, $0x2  }
0xba: {  	s3 =	sand.u32 $0x4000, s31;
	s1 =	sadd.s32 s1, s30  }
0xbb: {  	s0 =	sor.u32 s3, s0;
	s1 =	sshll.u32 s1, $0x11  }
0xbc: {  	s0 =	sor.u32 s1, s0  }
0xbd: {  	s0 =	sadd.s32 $0x8F2B, s0  }
0xbe: {  	[sflag:s0] =	ssyncadd.remote.s32 $0x1  }
0xbf: {  	_ =	sfence.sel $0xFFFF  }
0xc0: {  	[dreg:$0x0] =	wrdreg $0xFFFFFFFF;
	(pc) =	sbr.abs _section_cstart, $3  }
0xc1: {  	[dreg:$0x1] =	wrdreg $0xFFFFFFFF  }
0xc2: {  	_ =	task.clear_ibuf [dreg:s7], $0x2FFFF;
	_ =	strace $0x9FFFFFFF  }
0xc3: {  	(tm) =	ssettm $0x7FFFFFFF  }
tec
execute0_lowered:
.L_overlay_start_1:
0x0: {  	(tag) =	ssettag $0x1  }
0x1: {  	s1 =	rddreg [dreg:$0x0]  }
0x2: {  	s0 =	srdreg.scid;
	s3 =	rddreg [dreg:$0x1]  }
0x3: {  	s11 =	stileid.u32;
	s4 =	rddreg [dreg:$0x2];
	s5 =	simm.s32 $0x0  }
0x4: {  	s19 =	simm.s32 $0x1E0;
	s20 =	simm.s32 $0x5;
	s28 =	simm.s32 $0x168  }
0x5: {  	s29 =	simm.s32 $0x9060;
	s30 =	simm.s32 $0x3;
	s2 =	smul.u32 $0x16020, s11  }
0x6: {  	s0 =	sand.u32 $0x1, s0;
	s8 =	smul.u32 $0x58080, s11;
	s11 =	sshll.u32 s11, $0x1  }
0x7: {  	s6 =	smul.u32 $0x160200, s0;
	s21 =	ssub.s32 $0x2, s0;
	s0 =	sor.u32 s0, s11  }
0x8: {  	s31 =	simm.s32 $0x4;
	[smem:$0x7FF] =	sst s5;
	s23 =	smul.u32 $0x4EC0, s0  }
0x9: {  	_ =	strace $0x80000047;
	s10 =	sshrl.u32 s21, $0x1;
	s26 =	smul.u32 $0x9D8, s0  }
0xa: {  	s8 =	sshrl.u32 s8, $0x2;
	s0 =	smul.u32 $0x54, s0;
	s6 =	sadd.s32 s2, s6  }
0xb: {  	s10 =	ssub.s32 s21, s10;
	s8 =	sadd.s32 s8, s4;
	s21 =	simm.s32 $0x1  }
0xc: {  	s7 =	sshrl.u32 s6, $0x3;
	s6 =	sadd.s32 $0x2C000, s1;
	s22 =	sadd.s32 $0x4380, s8  }
0xd: {  	s24 =	sadd.s32 $0x8700, s8;
	s25 =	sadd.s32 $0xCA80, s8;
	s12 =	sadd.s32 $0x10E00, s8  }
0xe: {  	s13 =	sadd.s32 s3, s26;
	s15 =	sor.u32 $0x2, s0;
	[dreg:$0x4] =	wrdreg s22  }
0xf: {  	s16 =	sor.u32 $0x3, s0;
	s18 =	smax.u32 s10, $0x1;
	[dreg:$0x5] =	wrdreg s24  }
.Ltmp0:
0x10: {  	s26 =	simm.s32 $0x4560;
	[dreg:$0x6] =	wrdreg s25;
	(pc) =	sbr.rel .LBB2_1-.Ltmp0, $4  }
0x11: {  	s9 =	sadd.s32 s7, s1;
	s7 =	sadd.s32 s2, s4;
	[dreg:$0x7] =	wrdreg s12  }
0x12: {  	v0 =	vimm.f32 $0.0e+00;
	v6 =	vimm.s32 $0x0;
	v7 =	vimm.s32 $0x1;
	s2 =	sshrl.u32 s23, $0x3;
	s12 =	sadd.s32 $0x15180, s8;
	s22 =	simm.s32 $0x78  }
0x13: {  	v53 =	vimm.s32 $0x2;
	v36 =	vimm.s32 $0x3;
	v33 =	vimm.s32 $0x4;
	s24 =	simm.s32 $0xF0;
	s25 =	simm.s32 $0x2;
	s2 =	sadd.s32 s3, s2  }
0x14: {  	v31 =	vimm.s32 $0x5;
	v32 =	vimm.s32 $0x6;
	v42 =	vimm.s32 $0x7;
	s17 =	sadd.s32 $0x31000, s9;
	s14 =	sadd.s32 $0x1E, s2;
	s2 =	simm.s32 $0x0  }
.LBB2_10:
0x15: {  	s0 =	stileid.u32;
	s2 =	sadd.s32 $0x1, s2  }
0x16: {  	[bflag:$0x0] =	sbarrier.arrive $0xFFFF;
	s0 =	sshll.u32 s0, $0x6;
	p0 =	sne.s32 s2, s18  }
.Ltmp1:
0x17: {  	s8 =	sshrl.u32 s7, $0x3;
	s0 =	sor.u32 $0x1C05, s0;
	(pc) =	sbr.rel @!p0 .LBB2_11-.Ltmp1, $4  }
0x18: {  	[hbm:s17], [sflag:s0] =	dma.local [spmem:s8], $0x2C04  }
0x19: {  	v0 =	vimm.f32 $0.0e+00;
	v6 =	vimm.s32 $0x0;
	v7 =	vimm.s32 $0x1;
	_ =	swait.ge [sflag:s20], $0x2C04  }
0x1a: {  	v53 =	vimm.s32 $0x2;
	v36 =	vimm.s32 $0x3;
	v33 =	vimm.s32 $0x4;
	[sflag:s20] =	ssyncset.done $0x0  }
0x1b: {  	v31 =	vimm.s32 $0x5;
	v32 =	vimm.s32 $0x6;
	v42 =	vimm.s32 $0x7;
	[sflag:s20] =	ssyncadd.s32 $0xFFFFD3FC  }
.LBB2_1:
0x1c: {  	s0 =	simm.s32 $0x0;
	s8 =	simm.s32 $0x240  }
.LBB2_2:
0x1d: {  	p0 =	sne.s32 s8, $0x10BC0;
	[tilespmem:s0+$0x260] =	vst v0  }
0x1e: {  	[tilespmem:s0+$0x1E0] =	vst v0  }
0x1f: {  	[tilespmem:s0+$0x1F0] =	vst v0  }
0x20: {  	[tilespmem:s0+$0x200] =	vst v0  }
.Ltmp2:
0x21: {  	[tilespmem:s0+$0x210] =	vst v0;
	(pc) =	sbr.rel @p0 .LBB2_2-.Ltmp2, $4  }
0x22: {  	[tilespmem:s0+$0x220] =	vst v0  }
0x23: {  	[tilespmem:s0+$0x230] =	vst v0  }
0x24: {  	[tilespmem:s0+$0x240] =	vst v0  }
0x25: {  	[tilespmem:s0+$0x250] =	vst v0;
	s0 =	sshra.s32 s8, $0x2;
	s8 =	sadd.s32 $0x240, s8  }
0x26: {  	[tilespmem:s0+$0x260] =	vst v0  }
0x27: {  	[tilespmem:s0+$0x1E0] =	vst v0  }
0x28: {  	[tilespmem:s0+$0x1F0] =	vst v0  }
0x29: {  	[tilespmem:s0+$0x200] =	vst v0  }
0x2a: {  	[tilespmem:s0+$0x210] =	vst v0  }
0x2b: {  	[tilespmem:s0+$0x220] =	vst v0  }
0x2c: {  	[tilespmem:s0+$0x230] =	vst v0  }
0x2d: {  	[tilespmem:s0+$0x240] =	vst v0  }
0x2e: {  	[tilespmem:s0+$0x250] =	vst v0  }
0x2f: {  	[spmem:s7] =	stream.linear.scatter [tilespmem:s19], [sflag:$0x5], $0x4380, $0x38;
	[tilespmem:$0x1F800] =	vst v63  }
0x30: {  	_ =	swait.ge [sflag:s20], $0x4380  }
0x31: {  	[sflag:s20] =	ssyncset.done $0x0  }
0x32: {  	s23 =	rddreg [dreg:$0x4];
	[sflag:s20] =	ssyncadd.s32 $0xFFFFBC80  }
0x33: {  	[spmem:s23] =	stream.linear.scatter [tilespmem:s19], [sflag:$0x5], $0x4380, $0x38;
	[tilespmem:$0x1F800] =	vst v63  }
0x34: {  	_ =	swait.ge [sflag:s20], $0x4380  }
0x35: {  	[sflag:s20] =	ssyncset.done $0x0  }
0x36: {  	s8 =	rddreg [dreg:$0x5];
	[sflag:s20] =	ssyncadd.s32 $0xFFFFBC80  }
0x37: {  	[spmem:s8] =	stream.linear.scatter [tilespmem:s19], [sflag:$0x5], $0x4380, $0x38;
	[tilespmem:$0x1F800] =	vst v63  }
0x38: {  	_ =	swait.ge [sflag:s20], $0x4380  }
0x39: {  	[sflag:s20] =	ssyncset.done $0x0  }
0x3a: {  	s9 =	rddreg [dreg:$0x6];
	[sflag:s20] =	ssyncadd.s32 $0xFFFFBC80  }
0x3b: {  	[spmem:s9] =	stream.linear.scatter [tilespmem:s19], [sflag:$0x5], $0x4380, $0x38;
	[tilespmem:$0x1F800] =	vst v63  }
0x3c: {  	_ =	swait.ge [sflag:s20], $0x4380  }
0x3d: {  	[sflag:s20] =	ssyncset.done $0x0  }
0x3e: {  	s10 =	rddreg [dreg:$0x7];
	[sflag:s20] =	ssyncadd.s32 $0xFFFFBC80  }
0x3f: {  	[spmem:s10] =	stream.linear.scatter [tilespmem:s19], [sflag:$0x5], $0x4380, $0x38;
	[tilespmem:$0x1F800] =	vst v63  }
0x40: {  	_ =	swait.ge [sflag:s20], $0x4380  }
0x41: {  	[sflag:s20] =	ssyncset.done $0x0  }
0x42: {  	[sflag:s20] =	ssyncadd.s32 $0xFFFFBC80  }
0x43: {  	[spmem:s12] =	stream.linear.scatter [tilespmem:s19], [sflag:$0x5], $0xEA0, $0x38;
	[tilespmem:$0x1F800] =	vst v63  }
0x44: {  	_ =	swait.ge [sflag:s20], $0xEA0  }
0x45: {  	[sflag:s20] =	ssyncset.done $0x0  }
0x46: {  	[sflag:s20] =	ssyncadd.s32 $0xFFFFF160  }
0x47: {  	s23 =	simm.s32 $0x0;
	[bflag:$0x0] =	sbarrier.arrive $0xFFFF  }
0x48: {  	[tilespmem:s23], [sflag:$0x1] =	stream.linear.gather [hbm4b:s13+s23], $0xF0, $0x38;
	[tilespmem:$0x1F800] =	vst v63  }
0x49: {  	_ =	swait.ge [sflag:s21], $0xF0  }
0x4a: {  	[sflag:s21] =	ssyncset.done $0x0  }
0x4b: {  	[sflag:s21] =	ssyncadd.s32 $0xFFFFFF10  }
0x4c: {  	[tilespmem:s19], [sflag:$0x3] =	stream.indirect.gather [hbm4b:s1+s22], $0x90, s23, s22, $0xb8;
	[tilespmem:$0x1F800] =	vst v63  }
0x4d: {  	s11 =	simm.s32 $0x88E0  }
0x4e: {  	[tilespmem:s11], [sflag:$0x3] =	stream.indirect.gather [hbm4b:s6+s22], $0x10, s22, s22, $0xb8;
	[tilespmem:$0x1F800] =	vst v63  }
0x4f: {  	_ = 	snop  }
0x50: {  	[tilespmem:s24], [sflag:$0x2] =	stream.linear.gather [hbm4b:s14+s23], $0xF0, $0x38;
	[tilespmem:$0x1F800] =	vst v63  }
.LBB2_4:
0x51: {  	_ =	swait.ge [sflag:s25], $0xF0  }
0x52: {  	[sflag:s25] =	ssyncset.done $0x0  }
0x53: {  	[sflag:s25] =	ssyncadd.s32 $0xFFFFFF10  }
0x54: {  	[tilespmem:s26], [sflag:$0x4] =	stream.indirect.gather [hbm4b:s1+s22], $0x90, s24, s22, $0xb8;
	[tilespmem:$0x1F800] =	vst v63  }
0x55: {  	_ = 	snop  }
0x56: {  	[tilespmem:s29], [sflag:$0x4] =	stream.indirect.gather [hbm4b:s6+s22], $0x10, s28, s22, $0xb8;
	[tilespmem:$0x1F800] =	vst v63  }
0x57: {  	_ =	swait.ge [sflag:s30], $0x4380  }
0x58: {  	[sflag:s30] =	ssyncset.done $0x0  }
0x59: {  	[sflag:s30] =	ssyncadd.s32 $0xFFFFBC80  }
0x5a: {  	_ =	swait.ge [sflag:s30], $0x780  }
0x5b: {  	[sflag:s30] =	ssyncset.done $0x0  }
0x5c: {  	s0 =	simm.s32 $0x300;
	[sflag:s30] =	ssyncadd.s32 $0xFFFFF880  }
0x5d: {  	s8 =	simm.s32 $0x8900;
	v0 =	vld [tilespmem:s0+$0x110]  }
0x5e: {  	v1 =	vld [tilespmem:s8+$0x10]  }
0x5f: {  	v3 =	vld [tilespmem:s0+$0xFFFFFFF0]  }
0x60: {  	v8 =	vld [tilespmem:s0+$0xFFFFFEE0]  }
0x61: {  	v4 =	vld [tilespmem:s8+$0xFFFFFFF0]  }
0x62: {  	v2 =	vld [tilespmem:s8+$0xFFFFFFE0]  }
0x63: {  	v5 =	vld [tilespmem:s0+$0x80]  }
0x64: {  	v9 =	vld [tilespmem:s8+$0x0];
	v0 =	vadd.f32 v1, v0  }
0x65: {  	v1 =	vld [tilespmem:s0+$0xFFFFFF60];
	[tilespmem:$0x1FFF0] =	vst v8  }
0x66: {  	v3 =	vadd.f32 v4, v3;
	v13 =	vld [tilespmem:s0+$0xFFFFFEF0];
	v10 =	vmul.f32 $2.000000030e-01, v0  }
0x67: {  	v14 =	vld [tilespmem:s0+$0xFFFFFF00]  }
0x68: {  	v15 =	vld [tilespmem:s0+$0xFFFFFF10];
	v4 =	vmul.f32 $2.000000030e-01, v3;
	v0 =	vmax.f32 v0, v10  }
0x69: {  	v17 =	vld [tilespmem:s0+$0xFFFFFF20];
	v0 =	vmul.f32 $1.442695020e+00, v0  }
0x6a: {  	v16 =	vld [tilespmem:s0+$0xFFFFFF30];
	v1 =	vadd.f32 v2, v1;
	v2 =	vmax.f32 v3, v4  }
0x6b: {  	v5 =	vadd.f32 v9, v5;
	v18 =	vld [tilespmem:s0+$0xFFFFFF40];
	v2 =	vmul.f32 $1.442695020e+00, v2;
	(erf) = vpow2.f32 v0  }
0x6c: {  	v19 =	vld [tilespmem:s0+$0xFFFFFF50]  }
0x6d: {  	v20 =	vld [tilespmem:s0+$0xFFFFFF70];
	v3 =	vmul.f32 $2.000000030e-01, v5;
	(erf) = vpow2.f32 v2  }
0x6e: {  	v21 =	vld [tilespmem:s0+$0xFFFFFF80];
	v0 =	vmul.f32 $2.000000030e-01, v1  }
0x6f: {  	v22 =	vld [tilespmem:s0+$0xFFFFFF90];
	v3 =	vmax.f32 v5, v3  }
0x70: {  	v23 =	vld [tilespmem:s0+$0xFFFFFFA0];
	v0 =	vmax.f32 v1, v0;
	v1 =	vmul.f32 $1.442695020e+00, v3  }
0x71: {  	v25 =	vld [tilespmem:s0+$0xFFFFFFB0]  }
0x72: {  	v24 =	vld [tilespmem:s0+$0xFFFFFFC0];
	v0 =	vmul.f32 $1.442695020e+00, v0;
	(erf) = vpow2.f32 v1  }
0x73: {  	v26 =	vld [tilespmem:s0+$0xFFFFFFD0]  }
0x74: {  	v27 =	vld [tilespmem:s0+$0xFFFFFFE0];
	(erf) = vpow2.f32 v0;
	v44 =	vpop (erf)  }
0x75: {  	v28 =	vld [tilespmem:s0+$0x0];
	v11 =	vperm.xlane v44, v6;
	v1 =	vperm.xlane v44, v42  }
0x76: {  	v0 =	vld [tilespmem:s0+$0x100];
	v12 =	vperm.xlane v44, v7;
	v10 =	vperm.xlane v44, v53;
	v39 =	vpop (erf)  }
0x77: {  	v29 =	vld [tilespmem:s0+$0x10];
	v51 =	vperm.xlane v39, v6;
	v48 =	vperm.xlane v39, v7  }
0x78: {  	v30 =	vld [tilespmem:s0+$0x20];
	v50 =	vperm.xlane v39, v53;
	v46 =	vperm.xlane v39, v36  }
0x79: {  	v34 =	vld [tilespmem:s0+$0x40];
	v52 =	vperm.xlane v39, v33;
	v47 =	vperm.xlane v39, v31  }
0x7a: {  	v40 =	vimm.s32 $0x5;
	v41 =	vld [tilespmem:s0+$0x50];
	v62 =	vperm.xlane v39, v32;
	v60 =	vperm.xlane v39, v42  }
0x7b: {  	v37 =	vld [tilespmem:s0+$0x60];
	[tilespmem:s0+$0xFFFFFFF0] =	vst v39;
	v39 =	vperm.xlane v44, v40;
	v0 =	vmul.f32 v0, v1;
	v49 =	vpop (erf)  }
0x7c: {  	v35 =	vld [tilespmem:s0+$0xA0];
	[tilespmem:s0+$0x110] =	vst v44;
	v61 =	vperm.xlane v49, v6;
	v58 =	vperm.xlane v49, v7  }
0x7d: {  	v8 =	vimm.s32 $0x4;
	v45 =	vld [tilespmem:s0+$0x70];
	[tilespmem:s0+$0x100] =	vst v0;
	v59 =	vperm.xlane v49, v53;
	v57 =	vperm.xlane v49, v36  }
0x7e: {  	v33 =	vld [tilespmem:s0+$0x30];
	v38 =	vpop (erf);
	v56 =	vperm.xlane v49, v8;
	v55 =	vperm.xlane v49, v40;
	[tilespmem:s0+$0x80] =	vst v49  }
0x7f: {  	v40 =	vld [tilespmem:s0+$0xE0];
	v43 =	vperm.xlane v38, v6;
	v5 =	vperm.xlane v38, v53;
	v6 =	vimm.s32 $0x6;
	[tilespmem:s0+$0xFFFFFF60] =	vst v38  }
0x80: {  	v53 =	vperm.xlane v49, v42;
	v54 =	vperm.xlane v49, v6;
	v49 =	vld [tilespmem:$0x1FFF0]  }
0x81: {  	v9 =	vperm.xlane v44, v36;
	v0 =	vperm.xlane v38, v31;
	v31 =	vld [tilespmem:s0+$0x90]  }
0x82: {  	v2 =	vperm.xlane v38, v7;
	v3 =	vperm.xlane v38, v32;
	v32 =	vld [tilespmem:s0+$0xB0]  }
0x83: {  	v1 =	vperm.xlane v38, v36;
	v4 =	vperm.xlane v38, v8;
	v36 =	vld [tilespmem:s0+$0xC0]  }
0x84: {  	v63 =	vperm.xlane v38, v42;
	v38 =	vld [tilespmem:s0+$0xD0];
	v7 =	vimm.s32 $0x7;
	v42 =	vperm.xlane v44, v8  }
0x85: {  	s9 =	simm.s32 $0x0;
	s10 =	simm.s32 $0x540;
	v8 =	vimm.s32 $0x4;
	v49 =	vmul.f32 v49, v43;
	v43 =	vperm.xlane v44, v6;
	v44 =	vld [tilespmem:s0+$0xF0]  }
.LBB2_5:
0x86: {  	v6 =	vld [tilespmem:s10+$0x110];
	v2 =	vmul.f32 v13, v2;
	v5 =	vmul.f32 v14, v5;
	s8 =	sadd.s32 $0x40, s8  }
0x87: {  	s9 =	sadd.s32 $0x4, s9;
	v1 =	vmul.f32 v15, v1;
	v4 =	vmul.f32 v17, v4;
	v13 =	vld [tilespmem:s8+$0x10];
	[tilespmem:s0+$0xFFFFFEE0] =	vst v49  }
0x88: {  	v0 =	vmul.f32 v16, v0;
	p0 =	slt.u32 s9, $0x74;
	v17 =	vld [tilespmem:s8+$0xFFFFFFE0];
	[tilespmem:s0+$0xFFFFFEF0] =	vst v2;
	v2 =	vmul.f32 v18, v3  }
0x89: {  	v14 =	vmul.f32 v20, v51;
	v3 =	vld [tilespmem:s10+$0xFFFFFFF0];
	[tilespmem:s0+$0xFFFFFF00] =	vst v5;
	v5 =	vmul.f32 v19, v63  }
0x8a: {  	v16 =	vmul.f32 v22, v50;
	v15 =	vld [tilespmem:s8+$0xFFFFFFF0];
	[tilespmem:s0+$0xFFFFFF10] =	vst v1;
	v1 =	vmul.f32 v21, v48  }
0x8b: {  	v19 =	vmul.f32 v25, v52;
	v18 =	vld [tilespmem:s10+$0x80];
	[tilespmem:s0+$0xFFFFFF20] =	vst v4;
	v4 =	vmul.f32 v23, v46  }
0x8c: {  	v21 =	vmul.f32 v26, v62;
	v20 =	vld [tilespmem:s8+$0x0];
	v6 =	vadd.f32 v13, v6;
	[tilespmem:s0+$0xFFFFFF30] =	vst v0;
	v0 =	vmul.f32 v24, v47  }
0x8d: {  	v23 =	vmul.f32 v28, v61;
	v22 =	vld [tilespmem:s10+$0xFFFFFF60];
	[tilespmem:s0+$0xFFFFFF40] =	vst v2;
	v2 =	vmul.f32 v27, v60  }
0x8e: {  	v49 =	vld [tilespmem:s10+$0xFFFFFEE0];
	v24 =	vmul.f32 $2.000000030e-01, v6;
	[tilespmem:s0+$0xFFFFFF50] =	vst v5;
	v5 =	vmul.f32 v29, v58  }
0x8f: {  	v25 =	vmul.f32 v30, v59;
	v26 =	vmul.f32 v33, v57;
	v13 =	vld [tilespmem:s10+$0xFFFFFEF0];
	v3 =	vadd.f32 v15, v3;
	[tilespmem:s0+$0xFFFFFF70] =	vst v14  }
0x90: {  	v27 =	vmul.f32 v41, v55;
	v14 =	vld [tilespmem:s10+$0xFFFFFF00];
	v6 =	vmax.f32 v6, v24;
	[tilespmem:s0+$0xFFFFFF80] =	vst v1;
	v1 =	vmul.f32 v34, v56  }
0x91: {  	v15 =	vld [tilespmem:s10+$0xFFFFFF10];
	v24 =	vmul.f32 $2.000000030e-01, v3;
	v20 =	vadd.f32 v20, v18;
	v6 =	vmul.f32 $1.442695020e+00, v6;
	[tilespmem:s0+$0xFFFFFF90] =	vst v16  }
0x92: {  	v28 =	vmul.f32 v45, v53;
	v22 =	vadd.f32 v17, v22;
	v17 =	vld [tilespmem:s10+$0xFFFFFF20];
	[tilespmem:s0+$0xFFFFFFA0] =	vst v4;
	v4 =	vmul.f32 v37, v54  }
0x93: {  	v16 =	vld [tilespmem:s10+$0xFFFFFF30];
	v3 =	vmax.f32 v3, v24;
	v24 =	vmul.f32 $2.000000030e-01, v20;
	(erf) = vpow2.f32 v6;
	[tilespmem:s0+$0xFFFFFFB0] =	vst v19  }
0x94: {  	v6 =	vmul.f32 $2.000000030e-01, v22;
	v18 =	vld [tilespmem:s10+$0xFFFFFF40];
	v3 =	vmul.f32 $1.442695020e+00, v3;
	[tilespmem:s0+$0xFFFFFFC0] =	vst v0  }
0x95: {  	v30 =	vmul.f32 v35, v12;
	v29 =	vmul.f32 v31, v11;
	v19 =	vld [tilespmem:s10+$0xFFFFFF50];
	v0 =	vmax.f32 v20, v24;
	[tilespmem:s0+$0xFFFFFFD0] =	vst v21  }
0x96: {  	v6 =	vmax.f32 v22, v6;
	v20 =	vld [tilespmem:s10+$0xFFFFFF70];
	v0 =	vmul.f32 $1.442695020e+00, v0;
	(erf) = vpow2.f32 v3;
	[tilespmem:s0+$0xFFFFFFE0] =	vst v2  }
0x97: {  	v3 =	vmul.f32 v32, v10;
	v2 =	vmul.f32 $1.442695020e+00, v6;
	v21 =	vld [tilespmem:s10+$0xFFFFFF80];
	[tilespmem:s0+$0x0] =	vst v23  }
0x98: {  	v22 =	vld [tilespmem:s10+$0xFFFFFF90];
	(erf) = vpow2.f32 v0;
	[tilespmem:s0+$0x10] =	vst v5;
	v0 =	vmul.f32 v36, v9  }
0x99: {  	v6 =	vmul.f32 v38, v42;
	v23 =	vld [tilespmem:s10+$0xFFFFFFA0];
	(erf) = vpow2.f32 v2;
	[tilespmem:s0+$0x20] =	vst v25  }
0x9a: {  	v31 =	vmul.f32 v40, v39;
	v32 =	vmul.f32 v44, v43;
	v2 =	vld [tilespmem:s10+$0x100];
	[tilespmem:s0+$0x30] =	vst v26  }
0x9b: {  	v25 =	vld [tilespmem:s10+$0xFFFFFFB0];
	[tilespmem:s0+$0x40] =	vst v1  }
0x9c: {  	v53 =	vimm.s32 $0x2;
	v42 =	vimm.s32 $0x0;
	v24 =	vld [tilespmem:s10+$0xFFFFFFC0];
	v43 =	vpop (erf);
	[tilespmem:s0+$0x50] =	vst v27  }
0x9d: {  	v40 =	vimm.s32 $0x1;
	v26 =	vld [tilespmem:s10+$0xFFFFFFD0];
	v11 =	vperm.xlane v43, v42;
	v1 =	vperm.xlane v43, v7;
	[tilespmem:s0+$0x60] =	vst v4  }
0x9e: {  	v54 =	vimm.s32 $0x3;
	v12 =	vperm.xlane v43, v40;
	v10 =	vperm.xlane v43, v53;
	v27 =	vld [tilespmem:s10+$0xFFFFFFE0];
	[tilespmem:s0+$0x70] =	vst v28  }
0x9f: {  	v9 =	vperm.xlane v43, v54;
	v28 =	vld [tilespmem:s10+$0x0];
	v1 =	vmul.f32 v2, v1;
	v35 =	vpop (erf);
	[tilespmem:s0+$0x90] =	vst v29  }
0xa0: {  	v51 =	vperm.xlane v35, v42;
	v48 =	vperm.xlane v35, v40;
	v29 =	vld [tilespmem:s10+$0x10];
	[tilespmem:s0+$0xA0] =	vst v30  }
0xa1: {  	v39 =	vimm.s32 $0x5;
	v50 =	vperm.xlane v35, v53;
	v46 =	vperm.xlane v35, v54;
	v30 =	vld [tilespmem:s10+$0x20];
	[tilespmem:s10+$0x100] =	vst v1;
	v38 =	vpop (erf)  }
0xa2: {  	v52 =	vperm.xlane v35, v8;
	v47 =	vperm.xlane v35, v39;
	v33 =	vld [tilespmem:s10+$0x30];
	v36 =	vpop (erf);
	[tilespmem:s0+$0xB0] =	vst v3  }
0xa3: {  	v44 =	vperm.xlane v36, v42;
	v2 =	vperm.xlane v36, v40;
	v34 =	vld [tilespmem:s10+$0x40];
	[tilespmem:s0+$0xC0] =	vst v0  }
0xa4: {  	v5 =	vperm.xlane v36, v53;
	v1 =	vperm.xlane v36, v54;
	v41 =	vld [tilespmem:s10+$0x50];
	[tilespmem:s0+$0xD0] =	vst v6  }
0xa5: {  	v4 =	vperm.xlane v36, v8;
	v0 =	vperm.xlane v36, v39;
	v6 =	vimm.s32 $0x6;
	v37 =	vld [tilespmem:s10+$0x60];
	[tilespmem:s0+$0xE0] =	vst v31  }
0xa6: {  	v63 =	vperm.xlane v36, v7;
	v3 =	vperm.xlane v36, v6;
	v45 =	vld [tilespmem:s10+$0x70];
	[tilespmem:s0+$0xF0] =	vst v32;
	s0 =	smov.u32 s10  }
0xa7: {  	v60 =	vperm.xlane v35, v7;
	v62 =	vperm.xlane v35, v6;
	[tilespmem:s10+$0xFFFFFF60] =	vst v36;
	v31 =	vld [tilespmem:s10+$0x90]  }
0xa8: {  	v61 =	vperm.xlane v38, v42;
	v58 =	vperm.xlane v38, v40;
	[tilespmem:s10+$0xFFFFFFF0] =	vst v35;
	v35 =	vld [tilespmem:s10+$0xA0]  }
.Ltmp3:
0xa9: {  	v59 =	vperm.xlane v38, v53;
	v57 =	vperm.xlane v38, v54;
	[tilespmem:s10+$0x80] =	vst v38;
	v32 =	vld [tilespmem:s10+$0xB0];
	(pc) =	sbr.rel @p0 .LBB2_5-.Ltmp3, $4  }
0xaa: {  	v56 =	vperm.xlane v38, v8;
	v55 =	vperm.xlane v38, v39;
	[tilespmem:s10+$0x110] =	vst v43;
	v36 =	vld [tilespmem:s10+$0xC0]  }
0xab: {  	v53 =	vperm.xlane v38, v7;
	v54 =	vperm.xlane v38, v6;
	v38 =	vld [tilespmem:s10+$0xD0]  }
0xac: {  	v42 =	vperm.xlane v43, v8;
	v39 =	vperm.xlane v43, v39;
	v40 =	vld [tilespmem:s10+$0xE0]  }
0xad: {  	v49 =	vmul.f32 v49, v44;
	v43 =	vperm.xlane v43, v6;
	s10 =	sadd.s32 $0x240, s10;
	v44 =	vld [tilespmem:s0+$0xF0]  }
0xae: {  	v2 =	vmul.f32 v13, v2  }
0xaf: {  	v5 =	vmul.f32 v14, v5;
	[tilespmem:s0+$0xFFFFFEE0] =	vst v49  }
0xb0: {  	v1 =	vmul.f32 v15, v1;
	[tilespmem:s0+$0xFFFFFEF0] =	vst v2  }
0xb1: {  	v0 =	vmul.f32 v16, v0;
	[tilespmem:s0+$0xFFFFFF00] =	vst v5  }
0xb2: {  	v2 =	vmul.f32 v17, v4;
	[tilespmem:s0+$0xFFFFFF10] =	vst v1  }
0xb3: {  	v1 =	vmul.f32 v18, v3;
	[tilespmem:s0+$0xFFFFFF30] =	vst v0  }
0xb4: {  	v0 =	vmul.f32 v20, v51;
	[tilespmem:s0+$0xFFFFFF20] =	vst v2  }
0xb5: {  	v2 =	vmul.f32 v19, v63;
	[tilespmem:s0+$0xFFFFFF40] =	vst v1  }
0xb6: {  	v1 =	vmul.f32 v21, v48;
	[tilespmem:s0+$0xFFFFFF70] =	vst v0  }
0xb7: {  	v0 =	vmul.f32 v23, v46;
	[tilespmem:s0+$0xFFFFFF50] =	vst v2  }
0xb8: {  	v2 =	vmul.f32 v22, v50;
	[tilespmem:s0+$0xFFFFFF80] =	vst v1  }
0xb9: {  	v1 =	vmul.f32 v25, v52;
	[tilespmem:s0+$0xFFFFFFA0] =	vst v0  }
0xba: {  	v0 =	vmul.f32 v26, v62;
	[tilespmem:s0+$0xFFFFFF90] =	vst v2  }
0xbb: {  	v2 =	vmul.f32 v24, v47;
	[tilespmem:s0+$0xFFFFFFB0] =	vst v1  }
0xbc: {  	v1 =	vmul.f32 v27, v60;
	[tilespmem:s0+$0xFFFFFFD0] =	vst v0  }
0xbd: {  	v0 =	vmul.f32 v29, v58;
	[tilespmem:s0+$0xFFFFFFC0] =	vst v2  }
0xbe: {  	v2 =	vmul.f32 v28, v61;
	[tilespmem:s0+$0xFFFFFFE0] =	vst v1  }
0xbf: {  	v1 =	vmul.f32 v30, v59;
	[tilespmem:s0+$0x10] =	vst v0  }
0xc0: {  	v0 =	vmul.f32 v34, v56;
	[tilespmem:s0+$0x0] =	vst v2  }
0xc1: {  	v2 =	vmul.f32 v33, v57;
	[tilespmem:s0+$0x20] =	vst v1  }
0xc2: {  	v1 =	vmul.f32 v41, v55;
	[tilespmem:s0+$0x40] =	vst v0  }
0xc3: {  	v0 =	vmul.f32 v45, v53;
	[tilespmem:s0+$0x30] =	vst v2  }
0xc4: {  	v2 =	vmul.f32 v37, v54;
	[tilespmem:s0+$0x50] =	vst v1  }
0xc5: {  	v1 =	vmul.f32 v31, v11;
	[tilespmem:s0+$0x70] =	vst v0  }
0xc6: {  	v0 =	vmul.f32 v32, v10;
	[tilespmem:s0+$0x60] =	vst v2  }
0xc7: {  	v2 =	vmul.f32 v35, v12;
	[tilespmem:s0+$0x90] =	vst v1  }
0xc8: {  	v1 =	vmul.f32 v36, v9;
	[tilespmem:s0+$0xB0] =	vst v0  }
0xc9: {  	v0 =	vmul.f32 v40, v39;
	[tilespmem:s0+$0xA0] =	vst v2  }
0xca: {  	v2 =	vmul.f32 v38, v42;
	[tilespmem:s0+$0xC0] =	vst v1  }
0xcb: {  	v1 =	vmul.f32 v44, v43;
	[tilespmem:s0+$0xE0] =	vst v0  }
0xcc: {  	[tilespmem:s0+$0xD0] =	vst v2  }
0xcd: {  	p0 =	seq.s32 s23, $0x29;
	[tilespmem:s0+$0xF0] =	vst v1;
	s0 =	sshll.u32 s23, $0x1  }
0xce: {  	[spmem:s4] =	stream.indirect.scatter.add.f32 [tilespmem:s19], [sflag:$0x5], $0x90, s22, s22, $0xb8;
	[tilespmem:$0x1F800] =	vst v63  }
0xcf: {  	s8 =	sadd.s32 @!p0 s0, s15  }
0xd0: {  	_ =	swait.ge [sflag:s20], $0x4380;
	s8 =	smul.u32 @!p0 $0x1E, s8  }
0xd1: {  	[sflag:s20] =	ssyncset.done $0x0  }
0xd2: {  	s9 =	simm.s32 @!p0 $0x0;
	[sflag:s20] =	ssyncadd.s32 $0xFFFFBC80;
	s8 =	sadd.s32 @!p0 s3, s8  }
0xd3: {  	[tilespmem:s9], [sflag:$0x1] =	stream.linear.gather @!p0 [hbm4b:s8+s9], $0xF0, $0x38;
	[tilespmem:$0x1F800] =	vst v63  }
0xd4: {  	s8 =	simm.s32 @!p0 $0x1  }
0xd5: {  	_ =	swait.ge @!p0 [sflag:s8], $0xF0  }
0xd6: {  	[sflag:s8] =	ssyncset.done @!p0 $0x0  }
0xd7: {  	s10 =	simm.s32 @!p0 $0x1E0;
	[sflag:s8] =	ssyncadd.s32 @!p0 $0xFFFFFF10;
	s8 =	simm.s32 @!p0 $0x78  }
0xd8: {  	[tilespmem:s10], [sflag:$0x3] =	stream.indirect.gather @!p0 [hbm4b:s1+s8], $0x90, s9, s8, $0xb8;
	[tilespmem:$0x1F800] =	vst v63  }
0xd9: {  	s9 =	simm.s32 @!p0 $0x88E0  }
0xda: {  	[tilespmem:s9], [sflag:$0x3] =	stream.indirect.gather @!p0 [hbm4b:s6+s8], $0x10, s8, s8, $0xb8;
	[tilespmem:$0x1F800] =	vst v63  }
0xdb: {  	_ =	swait.ge [sflag:s31], $0x4380  }
0xdc: {  	[sflag:s31] =	ssyncset.done $0x0  }
0xdd: {  	[sflag:s31] =	ssyncadd.s32 $0xFFFFBC80  }
0xde: {  	_ =	swait.ge [sflag:s31], $0x780  }
0xdf: {  	[sflag:s31] =	ssyncset.done $0x0  }
0xe0: {  	s8 =	simm.s32 $0x4790;
	[sflag:s31] =	ssyncadd.s32 $0xFFFFF880  }
0xe1: {  	s9 =	simm.s32 $0x9090;
	v0 =	vld [tilespmem:s8+$0x0]  }
0xe2: {  	v1 =	vld [tilespmem:s9+$0x0]  }
0xe3: {  	v3 =	vld [tilespmem:s8+$0xFFFFFEE0]  }
0xe4: {  	v9 =	vld [tilespmem:s8+$0xFFFFFDD0]  }
0xe5: {  	v4 =	vld [tilespmem:s9+$0xFFFFFFE0]  }
0xe6: {  	v2 =	vld [tilespmem:s9+$0xFFFFFFD0]  }
0xe7: {  	v5 =	vld [tilespmem:s8+$0xFFFFFF70]  }
0xe8: {  	v6 =	vld [tilespmem:s9+$0xFFFFFFF0];
	v0 =	vadd.f32 v1, v0  }
0xe9: {  	v1 =	vld [tilespmem:s8+$0xFFFFFE50];
	[tilespmem:$0x1FFE0] =	vst v9  }
0xea: {  	v3 =	vadd.f32 v4, v3;
	v13 =	vld [tilespmem:s8+$0xFFFFFDE0];
	v9 =	vmul.f32 $2.000000030e-01, v0  }
0xeb: {  	v14 =	vld [tilespmem:s8+$0xFFFFFDF0]  }
0xec: {  	v15 =	vld [tilespmem:s8+$0xFFFFFE00];
	v4 =	vmul.f32 $2.000000030e-01, v3;
	v0 =	vmax.f32 v0, v9  }
0xed: {  	v17 =	vld [tilespmem:s8+$0xFFFFFE10];
	v0 =	vmul.f32 $1.442695020e+00, v0  }
0xee: {  	v5 =	vadd.f32 v6, v5;
	v16 =	vld [tilespmem:s8+$0xFFFFFE20];
	v1 =	vadd.f32 v2, v1;
	v2 =	vmax.f32 v3, v4  }
0xef: {  	v18 =	vld [tilespmem:s8+$0xFFFFFE30];
	v2 =	vmul.f32 $1.442695020e+00, v2;
	(erf) = vpow2.f32 v0  }
0xf0: {  	v19 =	vld [tilespmem:s8+$0xFFFFFE40];
	v3 =	vmul.f32 $2.000000030e-01, v5  }
0xf1: {  	v20 =	vld [tilespmem:s8+$0xFFFFFE60];
	v0 =	vmul.f32 $2.000000030e-01, v1;
	(erf) = vpow2.f32 v2  }
0xf2: {  	v21 =	vld [tilespmem:s8+$0xFFFFFE70];
	v3 =	vmax.f32 v5, v3  }
0xf3: {  	v22 =	vld [tilespmem:s8+$0xFFFFFE80];
	v0 =	vmax.f32 v1, v0;
	v1 =	vmul.f32 $1.442695020e+00, v3  }
0xf4: {  	v23 =	vld [tilespmem:s8+$0xFFFFFE90]  }
0xf5: {  	v25 =	vld [tilespmem:s8+$0xFFFFFEA0];
	(erf) = vpow2.f32 v1  }
0xf6: {  	v24 =	vld [tilespmem:s8+$0xFFFFFEB0];
	v0 =	vmul.f32 $1.442695020e+00, v0  }
0xf7: {  	v26 =	vld [tilespmem:s8+$0xFFFFFEC0]  }
0xf8: {  	v58 =	vimm.s32 $0x0;
	v59 =	vimm.s32 $0x1;
	v27 =	vld [tilespmem:s8+$0xFFFFFED0];
	(erf) = vpow2.f32 v0;
	v6 =	vpop (erf)  }
0xf9: {  	v42 =	vimm.s32 $0x2;
	v28 =	vld [tilespmem:s8+$0xFFFFFEF0];
	v11 =	vperm.xlane v6, v58;
	v1 =	vperm.xlane v6, v7  }
0xfa: {  	v53 =	vimm.s32 $0x3;
	v0 =	vld [tilespmem:s8+$0xFFFFFFF0];
	v12 =	vperm.xlane v6, v59;
	v10 =	vperm.xlane v6, v42;
	v39 =	vpop (erf)  }
0xfb: {  	v29 =	vld [tilespmem:s8+$0xFFFFFF00];
	v9 =	vperm.xlane v6, v53;
	v51 =	vperm.xlane v39, v58  }
0xfc: {  	v40 =	vimm.s32 $0x5;
	v30 =	vld [tilespmem:s8+$0xFFFFFF10];
	v48 =	vperm.xlane v39, v59;
	v50 =	vperm.xlane v39, v42  }
0xfd: {  	v43 =	vimm.s32 $0x6;
	v33 =	vld [tilespmem:s8+$0xFFFFFF20];
	v46 =	vperm.xlane v39, v53;
	v52 =	vperm.xlane v39, v8  }
0xfe: {  	v34 =	vld [tilespmem:s8+$0xFFFFFF30];
	v47 =	vperm.xlane v39, v40;
	v62 =	vperm.xlane v39, v43;
	v44 =	vpop (erf)  }
0xff: {  	v41 =	vld [tilespmem:s8+$0xFFFFFF40];
	[tilespmem:s8+$0x0] =	vst v6;
	v0 =	vmul.f32 v0, v1;
	v61 =	vperm.xlane v44, v58  }
0x100: {  	v37 =	vld [tilespmem:s8+$0xFFFFFF50];
	[tilespmem:s8+$0xFFFFFEE0] =	vst v39;
	v57 =	vperm.xlane v44, v53;
	v56 =	vperm.xlane v44, v8  }
0x101: {  	v31 =	vld [tilespmem:s8+$0xFFFFFF80];
	v38 =	vpop (erf);
	[tilespmem:s8+$0xFFFFFFF0] =	vst v0;
	v55 =	vperm.xlane v44, v40;
	v54 =	vperm.xlane v44, v43  }
0x102: {  	v35 =	vld [tilespmem:s8+$0xFFFFFF90];
	[tilespmem:s8+$0xFFFFFF70] =	vst v44;
	v49 =	vperm.xlane v38, v58;
	v2 =	vperm.xlane v38, v59  }
0x103: {  	v32 =	vld [tilespmem:s8+$0xFFFFFFA0];
	v1 =	vperm.xlane v38, v53;
	v58 =	vperm.xlane v44, v59;
	[tilespmem:s8+$0xFFFFFE50] =	vst v38  }
0x104: {  	v59 =	vperm.xlane v44, v42;
	v53 =	vperm.xlane v44, v7;
	v44 =	vld [tilespmem:$0x1FFE0]  }
0x105: {  	v45 =	vld [tilespmem:s8+$0xFFFFFF60];
	v60 =	vperm.xlane v39, v7;
	v5 =	vperm.xlane v38, v42  }
0x106: {  	v36 =	vld [tilespmem:s8+$0xFFFFFFB0];
	v4 =	vperm.xlane v38, v8;
	v0 =	vperm.xlane v38, v40  }
0x107: {  	v3 =	vperm.xlane v38, v43;
	v63 =	vperm.xlane v38, v7;
	v38 =	vld [tilespmem:s8+$0xFFFFFFC0]  }
0x108: {  	v39 =	vperm.xlane v6, v40;
	v42 =	vperm.xlane v6, v8;
	v40 =	vld [tilespmem:s8+$0xFFFFFFD0]  }
0x109: {  	s11 =	simm.s32 $0x49D0;
	s10 =	simm.s32 $0x0;
	v43 =	vperm.xlane v6, v43;
	v49 =	vmul.f32 v44, v49;
	v44 =	vld [tilespmem:s8+$0xFFFFFFE0]  }
.LBB2_7:
0x10a: {  	v6 =	vld [tilespmem:s11+$0x0];
	v2 =	vmul.f32 v13, v2;
	v5 =	vmul.f32 v14, v5;
	s9 =	sadd.s32 $0x40, s9  }
0x10b: {  	s10 =	sadd.s32 $0x4, s10;
	v1 =	vmul.f32 v15, v1;
	v4 =	vmul.f32 v17, v4;
	v13 =	vld [tilespmem:s9+$0x0];
	[tilespmem:s8+$0xFFFFFDD0] =	vst v49  }
0x10c: {  	v0 =	vmul.f32 v16, v0;
	p1 =	slt.u32 s10, $0x74;
	v17 =	vld [tilespmem:s9+$0xFFFFFFD0];
	[tilespmem:s8+$0xFFFFFDE0] =	vst v2;
	v2 =	vmul.f32 v18, v3  }
0x10d: {  	v14 =	vmul.f32 v20, v51;
	v3 =	vld [tilespmem:s11+$0xFFFFFEE0];
	[tilespmem:s8+$0xFFFFFDF0] =	vst v5;
	v5 =	vmul.f32 v19, v63  }
0x10e: {  	v16 =	vmul.f32 v22, v50;
	v15 =	vld [tilespmem:s9+$0xFFFFFFE0];
	[tilespmem:s8+$0xFFFFFE00] =	vst v1;
	v1 =	vmul.f32 v21, v48  }
0x10f: {  	v19 =	vmul.f32 v25, v52;
	v18 =	vld [tilespmem:s11+$0xFFFFFF70];
	[tilespmem:s8+$0xFFFFFE10] =	vst v4;
	v4 =	vmul.f32 v23, v46  }
0x110: {  	v21 =	vmul.f32 v26, v62;
	v20 =	vld [tilespmem:s9+$0xFFFFFFF0];
	v6 =	vadd.f32 v13, v6;
	[tilespmem:s8+$0xFFFFFE20] =	vst v0;
	v0 =	vmul.f32 v24, v47  }
0x111: {  	v23 =	vmul.f32 v28, v61;
	v22 =	vld [tilespmem:s11+$0xFFFFFE50];
	[tilespmem:s8+$0xFFFFFE30] =	vst v2;
	v2 =	vmul.f32 v27, v60  }
0x112: {  	v49 =	vld [tilespmem:s11+$0xFFFFFDD0];
	v24 =	vmul.f32 $2.000000030e-01, v6;
	[tilespmem:s8+$0xFFFFFE40] =	vst v5;
	v5 =	vmul.f32 v29, v58  }
0x113: {  	v25 =	vmul.f32 v30, v59;
	v26 =	vmul.f32 v33, v57;
	v13 =	vld [tilespmem:s11+$0xFFFFFDE0];
	v3 =	vadd.f32 v15, v3;
	[tilespmem:s8+$0xFFFFFE60] =	vst v14  }
0x114: {  	v27 =	vmul.f32 v41, v55;
	v14 =	vld [tilespmem:s11+$0xFFFFFDF0];
	v6 =	vmax.f32 v6, v24;
	[tilespmem:s8+$0xFFFFFE70] =	vst v1;
	v1 =	vmul.f32 v34, v56  }
0x115: {  	v15 =	vld [tilespmem:s11+$0xFFFFFE00];
	v24 =	vmul.f32 $2.000000030e-01, v3;
	v20 =	vadd.f32 v20, v18;
	v6 =	vmul.f32 $1.442695020e+00, v6;
	[tilespmem:s8+$0xFFFFFE80] =	vst v16  }
0x116: {  	v28 =	vmul.f32 v45, v53;
	v22 =	vadd.f32 v17, v22;
	v17 =	vld [tilespmem:s11+$0xFFFFFE10];
	[tilespmem:s8+$0xFFFFFE90] =	vst v4;
	v4 =	vmul.f32 v37, v54  }
0x117: {  	v16 =	vld [tilespmem:s11+$0xFFFFFE20];
	v3 =	vmax.f32 v3, v24;
	v24 =	vmul.f32 $2.000000030e-01, v20;
	(erf) = vpow2.f32 v6;
	[tilespmem:s8+$0xFFFFFEA0] =	vst v19  }
0x118: {  	v6 =	vmul.f32 $2.000000030e-01, v22;
	v18 =	vld [tilespmem:s11+$0xFFFFFE30];
	v3 =	vmul.f32 $1.442695020e+00, v3;
	[tilespmem:s8+$0xFFFFFEB0] =	vst v0  }
0x119: {  	v30 =	vmul.f32 v35, v12;
	v29 =	vmul.f32 v31, v11;
	v19 =	vld [tilespmem:s11+$0xFFFFFE40];
	v0 =	vmax.f32 v20, v24;
	[tilespmem:s8+$0xFFFFFEC0] =	vst v21  }
0x11a: {  	v6 =	vmax.f32 v22, v6;
	v20 =	vld [tilespmem:s11+$0xFFFFFE60];
	v0 =	vmul.f32 $1.442695020e+00, v0;
	(erf) = vpow2.f32 v3;
	[tilespmem:s8+$0xFFFFFED0] =	vst v2  }
0x11b: {  	v3 =	vmul.f32 v32, v10;
	v2 =	vmul.f32 $1.442695020e+00, v6;
	v21 =	vld [tilespmem:s11+$0xFFFFFE70];
	[tilespmem:s8+$0xFFFFFEF0] =	vst v23  }
0x11c: {  	v22 =	vld [tilespmem:s11+$0xFFFFFE80];
	(erf) = vpow2.f32 v0;
	[tilespmem:s8+$0xFFFFFF00] =	vst v5;
	v0 =	vmul.f32 v36, v9  }
0x11d: {  	v6 =	vmul.f32 v38, v42;
	v23 =	vld [tilespmem:s11+$0xFFFFFE90];
	(erf) = vpow2.f32 v2;
	[tilespmem:s8+$0xFFFFFF10] =	vst v25  }
0x11e: {  	v31 =	vmul.f32 v40, v39;
	v32 =	vmul.f32 v44, v43;
	v2 =	vld [tilespmem:s11+$0xFFFFFFF0];
	[tilespmem:s8+$0xFFFFFF20] =	vst v26  }
0x11f: {  	v25 =	vld [tilespmem:s11+$0xFFFFFEA0];
	[tilespmem:s8+$0xFFFFFF30] =	vst v1  }
0x120: {  	v53 =	vimm.s32 $0x2;
	v42 =	vimm.s32 $0x0;
	v24 =	vld [tilespmem:s11+$0xFFFFFEB0];
	v43 =	vpop (erf);
	[tilespmem:s8+$0xFFFFFF40] =	vst v27  }
0x121: {  	v40 =	vimm.s32 $0x1;
	v26 =	vld [tilespmem:s11+$0xFFFFFEC0];
	v11 =	vperm.xlane v43, v42;
	v1 =	vperm.xlane v43, v7;
	[tilespmem:s8+$0xFFFFFF50] =	vst v4  }
0x122: {  	v54 =	vimm.s32 $0x3;
	v12 =	vperm.xlane v43, v40;
	v10 =	vperm.xlane v43, v53;
	v27 =	vld [tilespmem:s11+$0xFFFFFED0];
	[tilespmem:s8+$0xFFFFFF60] =	vst v28  }
0x123: {  	v9 =	vperm.xlane v43, v54;
	v28 =	vld [tilespmem:s11+$0xFFFFFEF0];
	v1 =	vmul.f32 v2, v1;
	v35 =	vpop (erf);
	[tilespmem:s8+$0xFFFFFF80] =	vst v29  }
0x124: {  	v51 =	vperm.xlane v35, v42;
	v48 =	vperm.xlane v35, v40;
	v29 =	vld [tilespmem:s11+$0xFFFFFF00];
	[tilespmem:s8+$0xFFFFFF90] =	vst v30  }
0x125: {  	v39 =	vimm.s32 $0x5;
	v50 =	vperm.xlane v35, v53;
	v46 =	vperm.xlane v35, v54;
	v30 =	vld [tilespmem:s11+$0xFFFFFF10];
	[tilespmem:s11+$0xFFFFFFF0] =	vst v1;
	v38 =	vpop (erf)  }
0x126: {  	v52 =	vperm.xlane v35, v8;
	v47 =	vperm.xlane v35, v39;
	v33 =	vld [tilespmem:s11+$0xFFFFFF20];
	v36 =	vpop (erf);
	[tilespmem:s8+$0xFFFFFFA0] =	vst v3  }
0x127: {  	v44 =	vperm.xlane v36, v42;
	v2 =	vperm.xlane v36, v40;
	v34 =	vld [tilespmem:s11+$0xFFFFFF30];
	[tilespmem:s8+$0xFFFFFFB0] =	vst v0  }
0x128: {  	v5 =	vperm.xlane v36, v53;
	v1 =	vperm.xlane v36, v54;
	v41 =	vld [tilespmem:s11+$0xFFFFFF40];
	[tilespmem:s8+$0xFFFFFFC0] =	vst v6  }
0x129: {  	v4 =	vperm.xlane v36, v8;
	v0 =	vperm.xlane v36, v39;
	v6 =	vimm.s32 $0x6;
	v37 =	vld [tilespmem:s11+$0xFFFFFF50];
	[tilespmem:s8+$0xFFFFFFD0] =	vst v31  }
0x12a: {  	v63 =	vperm.xlane v36, v7;
	v3 =	vperm.xlane v36, v6;
	v45 =	vld [tilespmem:s11+$0xFFFFFF60];
	[tilespmem:s8+$0xFFFFFFE0] =	vst v32;
	s8 =	smov.u32 s11  }
0x12b: {  	v60 =	vperm.xlane v35, v7;
	v62 =	vperm.xlane v35, v6;
	[tilespmem:s11+$0xFFFFFE50] =	vst v36;
	v31 =	vld [tilespmem:s11+$0xFFFFFF80]  }
0x12c: {  	v61 =	vperm.xlane v38, v42;
	v58 =	vperm.xlane v38, v40;
	[tilespmem:s11+$0xFFFFFEE0] =	vst v35;
	v35 =	vld [tilespmem:s11+$0xFFFFFF90]  }
.Ltmp4:
0x12d: {  	v59 =	vperm.xlane v38, v53;
	v57 =	vperm.xlane v38, v54;
	[tilespmem:s11+$0xFFFFFF70] =	vst v38;
	v32 =	vld [tilespmem:s11+$0xFFFFFFA0];
	(pc) =	sbr.rel @p1 .LBB2_7-.Ltmp4, $4  }
0x12e: {  	v56 =	vperm.xlane v38, v8;
	v55 =	vperm.xlane v38, v39;
	[tilespmem:s11+$0x0] =	vst v43;
	v36 =	vld [tilespmem:s11+$0xFFFFFFB0]  }
0x12f: {  	v53 =	vperm.xlane v38, v7;
	v54 =	vperm.xlane v38, v6;
	v38 =	vld [tilespmem:s11+$0xFFFFFFC0]  }
0x130: {  	v42 =	vperm.xlane v43, v8;
	v39 =	vperm.xlane v43, v39;
	v40 =	vld [tilespmem:s11+$0xFFFFFFD0]  }
0x131: {  	v49 =	vmul.f32 v49, v44;
	v43 =	vperm.xlane v43, v6;
	s11 =	sadd.s32 $0x240, s11;
	v44 =	vld [tilespmem:s8+$0xFFFFFFE0]  }
0x132: {  	v2 =	vmul.f32 v13, v2  }
0x133: {  	v5 =	vmul.f32 v14, v5;
	[tilespmem:s8+$0xFFFFFDD0] =	vst v49  }
0x134: {  	v1 =	vmul.f32 v15, v1;
	[tilespmem:s8+$0xFFFFFDE0] =	vst v2  }
0x135: {  	v15 =	vmul.f32 v17, v4;
	[tilespmem:s8+$0xFFFFFDF0] =	vst v5  }
0x136: {  	v0 =	vmul.f32 v16, v0;
	[tilespmem:s8+$0xFFFFFE00] =	vst v1  }
0x137: {  	v17 =	vmul.f32 v18, v3;
	[tilespmem:s8+$0xFFFFFE10] =	vst v15  }
0x138: {  	v18 =	vmul.f32 v19, v63;
	[tilespmem:s8+$0xFFFFFE20] =	vst v0  }
0x139: {  	v19 =	vmul.f32 v20, v51;
	[tilespmem:s8+$0xFFFFFE30] =	vst v17  }
0x13a: {  	v20 =	vmul.f32 v21, v48;
	[tilespmem:s8+$0xFFFFFE40] =	vst v18  }
0x13b: {  	v21 =	vmul.f32 v22, v50;
	[tilespmem:s8+$0xFFFFFE60] =	vst v19  }
0x13c: {  	v22 =	vmul.f32 v23, v46;
	[tilespmem:s8+$0xFFFFFE70] =	vst v20  }
0x13d: {  	v23 =	vmul.f32 v25, v52;
	[tilespmem:s8+$0xFFFFFE80] =	vst v21  }
0x13e: {  	v25 =	vmul.f32 v24, v47;
	[tilespmem:s8+$0xFFFFFE90] =	vst v22  }
0x13f: {  	v26 =	vmul.f32 v26, v62;
	[tilespmem:s8+$0xFFFFFEA0] =	vst v23  }
0x140: {  	v46 =	vmul.f32 v27, v60;
	[tilespmem:s8+$0xFFFFFEB0] =	vst v25  }
0x141: {  	v47 =	vmul.f32 v28, v61;
	[tilespmem:s8+$0xFFFFFEC0] =	vst v26  }
0x142: {  	v48 =	vmul.f32 v29, v58;
	[tilespmem:s8+$0xFFFFFED0] =	vst v46  }
0x143: {  	v50 =	vmul.f32 v33, v57;
	[tilespmem:s8+$0xFFFFFEF0] =	vst v47  }
0x144: {  	v51 =	vmul.f32 v34, v56;
	[tilespmem:s8+$0xFFFFFF00] =	vst v48  }
0x145: {  	v52 =	vmul.f32 v41, v55;
	[tilespmem:s8+$0xFFFFFF20] =	vst v50  }
0x146: {  	v55 =	vmul.f32 v37, v54;
	[tilespmem:s8+$0xFFFFFF30] =	vst v51  }
0x147: {  	v56 =	vmul.f32 v45, v53;
	[tilespmem:s8+$0xFFFFFF40] =	vst v52  }
0x148: {  	v57 =	vmul.f32 v31, v11;
	[tilespmem:s8+$0xFFFFFF50] =	vst v55  }
0x149: {  	v58 =	vmul.f32 v35, v12;
	[tilespmem:s8+$0xFFFFFF60] =	vst v56  }
0x14a: {  	v49 =	vmul.f32 v30, v59;
	[tilespmem:s8+$0xFFFFFF80] =	vst v57  }
0x14b: {  	v59 =	vmul.f32 v32, v10;
	[tilespmem:s8+$0xFFFFFF90] =	vst v58  }
0x14c: {  	v60 =	vmul.f32 v36, v9;
	[tilespmem:s8+$0xFFFFFF10] =	vst v49  }
0x14d: {  	v61 =	vmul.f32 v38, v42;
	[tilespmem:s8+$0xFFFFFFA0] =	vst v59  }
0x14e: {  	v62 =	vmul.f32 v40, v39;
	[tilespmem:s8+$0xFFFFFFB0] =	vst v60  }
0x14f: {  	v63 =	vmul.f32 v44, v43;
	[tilespmem:s8+$0xFFFFFFC0] =	vst v61  }
0x150: {  	[tilespmem:s8+$0xFFFFFFD0] =	vst v62  }
.Ltmp5:
0x151: {  	[tilespmem:s8+$0xFFFFFFE0] =	vst v63;
	(pc) =	sbr.rel @p0 .LBB2_10-.Ltmp5, $4  }
0x152: {  	[spmem:s4] =	stream.indirect.scatter.add.f32 [tilespmem:s26], [sflag:$0x5], $0x90, s28, s22, $0xb8;
	[tilespmem:$0x1F800] =	vst v63  }
0x153: {  	_ =	swait.ge [sflag:s20], $0x4380  }
0x154: {  	[sflag:s20] =	ssyncset.done $0x0  }
0x155: {  	[sflag:s20] =	ssyncadd.s32 $0xFFFFBC80  }
.Ltmp6:
0x156: {  	s0 =	sadd.s32 s0, s16;
	(pc) =	sbr.rel .LBB2_4-.Ltmp6, $4  }
0x157: {  	s0 =	smul.u32 $0x1E, s0  }
0x158: {  	v6 =	vimm.s32 $0x0;
	v7 =	vimm.s32 $0x1  }
0x159: {  	s23 =	sadd.s32 $0x1, s23;
	v53 =	vimm.s32 $0x2;
	v36 =	vimm.s32 $0x3;
	v33 =	vimm.s32 $0x4;
	s0 =	sadd.s32 s3, s0  }
0x15a: {  	v31 =	vimm.s32 $0x5;
	v32 =	vimm.s32 $0x6;
	v42 =	vimm.s32 $0x7;
	[tilespmem:s24], [sflag:$0x2] =	stream.linear.gather [hbm4b:s0+s5], $0xF0, $0x38;
	[tilespmem:$0x1F800] =	vst v63  }
.LBB2_11:
0x15b: {  	_ =	sfence.sel $0x180000  }
0x15c: {  	[bflag:$0x0] =	sbarrier.arrive $0xFFFF  }
0x15d: {  	_ =	strace $0x90000047  }
0x15e: {  	s0 =	stileid.u32;
	[bflag:$0x2] =	sbarrier.arrive $0xFFFF  }
0x15f: {  	p0 =	sne.s32 s0, $0x0;
	s0 =	rddreg [dreg:$0x3]  }
0x160: {  	s0 =	sadd.s32 @!p0 $0x100000, s0  }
0x161: {  	[sflag:s0] =	ssyncadd.tile.s32 @!p0 $0x1;
	_ =	shalt  }
.Lfunc_end2:
_tile_overlayer_lowered:
.L_overlay_start_2:
0x162: {  	(tag) =	ssettag $0x2  }
0x163: {  	s0 =	rddreg [dreg:$0x0];
	s2 =	stileid.u32  }
0x164: {  	s1 =	rddreg [dreg:$0x1];
	p0 =	sne.s32 s2, $0x0  }
0x165: {  	s3 =	rddreg [dreg:$0x2];
	[bflag:$0x3] =	sbarrier.arrive $0xFFFF;
	s2 =	simm.s32 @!p0 $0x1C05  }
0x166: {  	[timem:s3], [sflag:s2] =	dma.local @!p0 [hbm:s0], s1  }
0x167: {  	s0 =	simm.s32 @!p0 $0x5  }
0x168: {  	_ =	swait.ge @!p0 [sflag:s0], s1  }
0x169: {  	s1 =	ssub.s32 @!p0 $0x0, s1;
	[sflag:s0] =	ssyncset.done @!p0 $0x0  }
0x16a: {  	[sflag:s0] =	ssyncadd.s32 @!p0 s1  }
0x16b: {  	[bflag:$0x3] =	sbarrier.arrive $0xFFFF  }
0x16c: {  	_ =	shalt  }

</sc_bundles>
